<compile_context>
chip_gen: v7x
topology: tpu7x:2x2x1
jax: 0.10.2.dev20260603
libtpu: 0.0.44.dev20260713+nightly
codegen_flags: <defaults>
</compile_context>

<pallas_src>
import functools

import jax
import jax.numpy as jnp
from jax import lax
from jax.experimental import pallas as pl
from jax.experimental.pallas import tpu as pltpu
from jax.experimental.pallas import tpu_sc as plsc

N = 10000
E = 320000
D_IN = 128
H = 30
HP = 32
HL = 10
HLP = 16
C = 4

NC = 2
NS = 16
NW = NC * NS
EPW = E // NW
B = 80
CH = EPW // B
NACC = 10240
ZR = NACC // NS

_MESH = plsc.VectorSubcoreMesh(
    core_axis_name="c", subcore_axis_name="s", num_cores=NC, num_subcores=NS)
_SC_PARAMS = pltpu.CompilerParams(use_tc_tiling_on_sc=False)


@functools.partial(
    pl.kernel,
    out_type=jax.ShapeDtypeStruct((NC, NACC, 16), jnp.float32),
    mesh=_MESH,
    scratch_types=[
        pltpu.VMEM((CH, B), jnp.int32),
        pltpu.VMEM((B, 16), jnp.float32),
        pltpu.VMEM_SHARED((NACC, 16), jnp.float32),
    ],
    compiler_params=_SC_PARAMS,
)
def _deg_call(dst_hbm, ones_hbm, zeros_hbm, out_hbm, didx, ones_v, dacc):
    c = lax.axis_index("c")
    s = lax.axis_index("s")
    w = s * NC + c
    pltpu.sync_copy(zeros_hbm.at[pl.ds(s * ZR, ZR)], dacc.at[pl.ds(s * ZR, ZR)])
    pltpu.sync_copy(ones_hbm, ones_v)
    pltpu.sync_copy(dst_hbm.at[w], didx)
    plsc.subcore_barrier()

    def body(j, carry):
        pltpu.sync_copy(ones_v, dacc.at[didx.at[j]], add=True)
        return carry

    lax.fori_loop(0, CH, body, 0)
    plsc.subcore_barrier()
    pltpu.sync_copy(dacc.at[pl.ds(s * ZR, ZR)], out_hbm.at[c, pl.ds(s * ZR, ZR)])


@functools.partial(
    pl.kernel,
    out_type=jax.ShapeDtypeStruct((NC, NACC, HP), jnp.float32),
    mesh=_MESH,
    scratch_types=[
        pltpu.VMEM((CH, B), jnp.int32),
        pltpu.VMEM((CH, B), jnp.int32),
        pltpu.VMEM((B, HP), jnp.float32),
        pltpu.VMEM_SHARED((N, HP), jnp.float32),
        pltpu.VMEM_SHARED((NACC, HP), jnp.float32),
    ],
    compiler_params=_SC_PARAMS,
)
def _spmm_call(h_hbm, src_hbm, dst_hbm, zeros_hbm, out_hbm, sidx, didx, rows,
               h_s, acc):
    c = lax.axis_index("c")
    s = lax.axis_index("s")
    w = s * NC + c

    @pl.when(s < NS - 1)
    def _():
        pltpu.sync_copy(h_hbm.at[pl.ds(s * ZR, ZR)], h_s.at[pl.ds(s * ZR, ZR)])

    @pl.when(s == NS - 1)
    def _():
        pltpu.sync_copy(h_hbm.at[pl.ds((NS - 1) * ZR, N - (NS - 1) * ZR)],
                        h_s.at[pl.ds((NS - 1) * ZR, N - (NS - 1) * ZR)])

    pltpu.sync_copy(zeros_hbm.at[pl.ds(s * ZR, ZR)], acc.at[pl.ds(s * ZR, ZR)])
    pltpu.sync_copy(src_hbm.at[w], sidx)
    pltpu.sync_copy(dst_hbm.at[w], didx)
    plsc.subcore_barrier()

    def body(j, carry):
        pltpu.sync_copy(h_s.at[sidx.at[j]], rows)
        pltpu.sync_copy(rows, acc.at[didx.at[j]], add=True)
        return carry

    lax.fori_loop(0, CH, body, 0)
    plsc.subcore_barrier()
    pltpu.sync_copy(acc.at[pl.ds(s * ZR, ZR)], out_hbm.at[c, pl.ds(s * ZR, ZR)])


BN = 1000
NB = N // BN


def _dinv_of(degb):
    d = degb[0, :, 0:1] + degb[1, :, 0:1] + 1.0
    return lax.rsqrt(d)


def _tc1_body(deg_ref, x_ref, w_ref, o_ref):
    dinv = _dinv_of(deg_ref[...])
    o_ref[...] = jnp.dot(x_ref[...], w_ref[...],
                         preferred_element_type=jnp.float32) * dinv


_tc1 = pl.pallas_call(
    _tc1_body,
    grid=(NB,),
    in_specs=[
        pl.BlockSpec((NC, BN, 16), lambda i: (0, i, 0)),
        pl.BlockSpec((BN, D_IN), lambda i: (i, 0)),
        pl.BlockSpec((D_IN, HP), lambda i: (0, 0)),
    ],
    out_specs=pl.BlockSpec((BN, HP), lambda i: (i, 0)),
    out_shape=jax.ShapeDtypeStruct((N, HP), jnp.float32),
)


def _tc_mid_body(relu, s_ref, hp_ref, deg_ref, b_ref, w_ref, o_ref):
    dinv = _dinv_of(deg_ref[...])
    sv = s_ref[...]
    agg = (sv[0] + sv[1] + hp_ref[...]) * dinv + b_ref[...]
    if relu:
        agg = jnp.maximum(agg, 0.0)
    o_ref[...] = jnp.dot(agg, w_ref[...],
                         preferred_element_type=jnp.float32) * dinv


def _make_tc_mid(relu):
    return pl.pallas_call(
        functools.partial(_tc_mid_body, relu),
        grid=(NB,),
        in_specs=[
            pl.BlockSpec((NC, BN, HP), lambda i: (0, i, 0)),
            pl.BlockSpec((BN, HP), lambda i: (i, 0)),
            pl.BlockSpec((NC, BN, 16), lambda i: (0, i, 0)),
            pl.BlockSpec((1, HP), lambda i: (0, 0)),
            pl.BlockSpec((HP, HP), lambda i: (0, 0)),
        ],
        out_specs=pl.BlockSpec((BN, HP), lambda i: (i, 0)),
        out_shape=jax.ShapeDtypeStruct((N, HP), jnp.float32),
    )


_tc_mid_norelu = _make_tc_mid(False)
_tc_mid_relu = _make_tc_mid(True)


def _tc_head_body(s_ref, hp_ref, deg_ref, b_ref, w1_ref, c1_ref, w2_ref, c2_ref,
                  o_ref):
    dinv = _dinv_of(deg_ref[...])
    sv = s_ref[...]
    h3 = jnp.maximum((sv[0] + sv[1] + hp_ref[...]) * dinv + b_ref[...], 0.0)
    z = jnp.maximum(jnp.dot(h3, w1_ref[...], preferred_element_type=jnp.float32)
                    + c1_ref[...], 0.0)
    o_ref[...] = jnp.dot(z, w2_ref[...],
                         preferred_element_type=jnp.float32) + c2_ref[...]


_tc_head = pl.pallas_call(
    _tc_head_body,
    grid=(NB,),
    in_specs=[
        pl.BlockSpec((NC, BN, HP), lambda i: (0, i, 0)),
        pl.BlockSpec((BN, HP), lambda i: (i, 0)),
        pl.BlockSpec((NC, BN, 16), lambda i: (0, i, 0)),
        pl.BlockSpec((1, HP), lambda i: (0, 0)),
        pl.BlockSpec((HP, HLP), lambda i: (0, 0)),
        pl.BlockSpec((1, HLP), lambda i: (0, 0)),
        pl.BlockSpec((HLP, C), lambda i: (0, 0)),
        pl.BlockSpec((1, C), lambda i: (0, 0)),
    ],
    out_specs=pl.BlockSpec((BN, C), lambda i: (i, 0)),
    out_shape=jax.ShapeDtypeStruct((N, C), jnp.float32),
)


def kernel(x, edge_index, W1, b1, W2, b2, W3, b3, lin1_W, lin1_b, lin2_W, lin2_b):
    src3 = edge_index[0].reshape(NW, CH, B)
    dst3 = edge_index[1].reshape(NW, CH, B)
    zeros32 = jnp.zeros((NACC, HP), jnp.float32)
    zeros16 = jnp.zeros((NACC, 16), jnp.float32)
    ones16 = jnp.ones((B, 16), jnp.float32)

    W1p = jnp.zeros((D_IN, HP), jnp.float32).at[:, :H].set(W1)
    b1p = jnp.zeros((1, HP), jnp.float32).at[0, :H].set(b1)
    W2p = jnp.zeros((HP, HP), jnp.float32).at[:H, :H].set(W2)
    b2p = jnp.zeros((1, HP), jnp.float32).at[0, :H].set(b2)
    W3p = jnp.zeros((HP, HP), jnp.float32).at[:H, :H].set(W3)
    b3p = jnp.zeros((1, HP), jnp.float32).at[0, :H].set(b3)
    l1W = jnp.zeros((HP, HLP), jnp.float32).at[:H, :HL].set(lin1_W)
    l1b = jnp.zeros((1, HLP), jnp.float32).at[0, :HL].set(lin1_b)
    l2W = jnp.zeros((HLP, C), jnp.float32).at[:HL, :].set(lin2_W)
    l2b = lin2_b.reshape(1, C)

    deg2 = _deg_call(dst3, ones16, zeros16)
    h1p = _tc1(deg2, x, W1p)
    S1 = _spmm_call(h1p, src3, dst3, zeros32)
    h2p = _tc_mid_norelu(S1, h1p, deg2, b1p, W2p)
    S2 = _spmm_call(h2p, src3, dst3, zeros32)
    h3p = _tc_mid_relu(S2, h2p, deg2, b2p, W3p)
    S3 = _spmm_call(h3p, src3, dst3, zeros32)
    return _tc_head(S3, h3p, deg2, b3p, l1W, l1b, l2W, l2b)

# --- scband reference (transcript-rebuilt; emitter-appended) ---
"""Pipeline reference for scband-survey-shapes-gcn-81638738363110 (READ-ONLY COPY).

The authoritative reference and input builder live on the scoring server;
editing this copy changes nothing except your own understanding.
"""

import jax, jax.numpy as jnp
import numpy as np

N = 10000
E = 320000
D_IN = 128
H = 30
H_LIN = 10
C = 4


def setup_inputs(seed: int = 0) -> dict:
    key = jax.random.key(seed)
    ks = jax.random.split(key, 12)
    x = jax.random.normal(ks[0], (N, D_IN), dtype=jnp.float32)
    edge_index = jax.random.randint(ks[1], (2, E), 0, N, dtype=jnp.int32)
    W1 = jax.random.normal(ks[2], (D_IN, H), dtype=jnp.float32) * (1.0 / np.sqrt(D_IN))
    b1 = jnp.zeros((H,), dtype=jnp.float32)
    W2 = jax.random.normal(ks[3], (H, H), dtype=jnp.float32) * (1.0 / np.sqrt(H))
    b2 = jnp.zeros((H,), dtype=jnp.float32)
    W3 = jax.random.normal(ks[4], (H, H), dtype=jnp.float32) * (1.0 / np.sqrt(H))
    b3 = jnp.zeros((H,), dtype=jnp.float32)
    lin1_W = jax.random.normal(ks[5], (H, H_LIN), dtype=jnp.float32) * (1.0 / np.sqrt(H))
    lin1_b = jnp.zeros((H_LIN,), dtype=jnp.float32)
    lin2_W = jax.random.normal(ks[6], (H_LIN, C), dtype=jnp.float32) * (1.0 / np.sqrt(H_LIN))
    lin2_b = jnp.zeros((C,), dtype=jnp.float32)
    return {"x": x, "edge_index": edge_index, "W1": W1, "b1": b1, "W2": W2, "b2": b2, "W3": W3, "b3": b3, "lin1_W": lin1_W, "lin1_b": lin1_b, "lin2_W": lin2_W, "lin2_b": lin2_b}


def reference(x, edge_index, W1, b1, W2, b2, W3, b3, lin1_W, lin1_b, lin2_W, lin2_b):
    # GCNConv (PyG semantics): add self loops, symmetric deg^-1/2 normalization,
    # linear transform (no bias in lin), scatter-add aggregation at dst, then + bias.
    src = edge_index[0]
    dst = edge_index[1]
    loop = jnp.arange(N, dtype=src.dtype)
    src_full = jnp.concatenate([src, loop], axis=0)
    dst_full = jnp.concatenate([dst, loop], axis=0)
    ew = jnp.ones((E + N,), dtype=jnp.float32)
    deg = jax.ops.segment_sum(ew, dst_full, num_segments=N)
    dinv = jnp.where(deg > 0, 1.0 / jnp.sqrt(deg), 0.0)
    norm = dinv[src_full] * dinv[dst_full]

    def gcn_layer(h, W, b):
        h = h @ W
        msg = h[src_full] * norm[:, None]
        agg = jax.ops.segment_sum(msg, dst_full, num_segments=N)
        return agg + b

    h1 = gcn_layer(x, W1, b1)
    h2 = jax.nn.relu(gcn_layer(h1, W2, b2))
    h3 = jax.nn.relu(gcn_layer(h2, W3, b3))
    out = jax.nn.relu(h3 @ lin1_W + lin1_b)
    out = out @ lin2_W + lin2_b
    return out

if __name__ == "__main__":
    import jax
    _d = setup_inputs()
    print(jax.jit(kernel)(*tuple(_d.values())))

</pallas_src>

<mosaic_0001>
#map = affine_map<(d0, d1) -> (0, 0)>
#map1 = affine_map<(d0, d1) -> (0, 0, 0)>
module attributes {stable_mosaic.version = 14 : i64} {
  func.func @_spmm_call(%arg0: i32, %arg1: i32, %arg2: memref<10000x32xf32, #tpu.memory_space<hbm>>, %arg3: memref<32x125x80xi32, #tpu.memory_space<hbm>>, %arg4: memref<32x125x80xi32, #tpu.memory_space<hbm>>, %arg5: memref<10240x32xf32, #tpu.memory_space<hbm>>, %arg6: memref<2x10240x32xf32, #tpu.memory_space<hbm>>, %arg7: memref<125x80xi32, #tpu.memory_space<vmem>>, %arg8: memref<125x80xi32, #tpu.memory_space<vmem>>, %arg9: memref<80x32xf32, #tpu.memory_space<vmem>>, %arg10: memref<10000x32xf32, #tpu.memory_space<vmem_shared>>, %arg11: memref<10240x32xf32, #tpu.memory_space<vmem_shared>>) attributes {dimension_semantics = [#tpu.dimension_semantics<core_parallel>, #tpu.dimension_semantics<subcore_parallel>], iteration_bounds = array<i64: 2, 16>, scalar_prefetch = 0 : i64, scratch_operands = 5 : i64, tpu.core_type = #tpu.core_type<sc_vector_subcore>, window_params = [{transform_indices = #map}, {transform_indices = #map1}, {transform_indices = #map1}, {transform_indices = #map}, {transform_indices = #map1}]} {
    %mul3A = arith.constant 2 : i32
    %mul3A_0 = arith.muli %arg1, %mul3A : i32
    %add3A = arith.addi %mul3A_0, %arg0 : i32
    %lt3A = arith.constant 15 : i32
    %lt3A_1 = arith.cmpi slt, %arg1, %lt3A : i32
    %convert_element_type3A = arith.extui %lt3A_1 : i1 to i32
    %cond3A = arith.constant 0 : i32
    %cond3A_2 = arith.cmpi ne, %convert_element_type3A, %cond3A : i32
    scf.if %cond3A_2 {
      %mul3A_21 = arith.constant 640 : i32
      %mul3A_22 = arith.muli %arg1, %mul3A_21 : i32
      %mul3A_23 = arith.constant 640 : i32
      %mul3A_24 = arith.muli %arg1, %mul3A_23 : i32
      "tpu.region"() ({
        %run_scoped3A = tpu.sem_alloc : memref<!tpu.dma_semaphore, #tpu.memory_space<semaphore_mem>>
        %dma_start3A = arith.constant 0 : i32
        %dma_start3A_25 = tpu.memref_slice %arg10[%mul3A_24, %dma_start3A] : memref<10000x32xf32, #tpu.memory_space<vmem_shared>> -> memref<640x32xf32, #tpu.memory_space<vmem_shared>>
        %dma_start3A_26 = arith.constant 0 : i32
        %dma_start3A_27 = tpu.memref_slice %arg2[%mul3A_22, %dma_start3A_26] : memref<10000x32xf32, #tpu.memory_space<hbm>> -> memref<640x32xf32, #tpu.memory_space<hbm>>
        tpu.enqueue_dma source(%dma_start3A_27 : memref<640x32xf32, #tpu.memory_space<hbm>>) target(%dma_start3A_25 : memref<640x32xf32, #tpu.memory_space<vmem_shared>>) target_semaphore(%run_scoped3A : memref<!tpu.dma_semaphore, #tpu.memory_space<semaphore_mem>>)
        %dma_wait3A = arith.constant 0 : i32
        %dma_wait3A_28 = tpu.memref_slice %arg10[%mul3A_24, %dma_wait3A] : memref<10000x32xf32, #tpu.memory_space<vmem_shared>> -> memref<640x32xf32, #tpu.memory_space<vmem_shared>>
        %dma_wait3A_29 = arith.constant 0 : i32
        %dma_wait3A_30 = tpu.memref_slice %arg2[%mul3A_22, %dma_wait3A_29] : memref<10000x32xf32, #tpu.memory_space<hbm>> -> memref<640x32xf32, #tpu.memory_space<hbm>>
        tpu.wait_dma2 semaphore(%run_scoped3A : memref<!tpu.dma_semaphore, #tpu.memory_space<semaphore_mem>>) src(%dma_wait3A_30 : memref<640x32xf32, #tpu.memory_space<hbm>>) dst(%dma_wait3A_28 : memref<640x32xf32, #tpu.memory_space<vmem_shared>>)
        tpu.yield
      }) : () -> ()
    } else {
    }
    %eq3A = arith.constant 15 : i32
    %eq3A_3 = arith.cmpi eq, %arg1, %eq3A : i32
    %convert_element_type3A_4 = arith.extui %eq3A_3 : i1 to i32
    %cond3A_5 = arith.constant 0 : i32
    %cond3A_6 = arith.cmpi ne, %convert_element_type3A_4, %cond3A_5 : i32
    scf.if %cond3A_6 {
      "tpu.region"() ({
        %run_scoped3A = tpu.sem_alloc : memref<!tpu.dma_semaphore, #tpu.memory_space<semaphore_mem>>
        %dma_start3A = arith.constant 9600 : i32
        %dma_start3A_21 = arith.constant 0 : i32
        %dma_start3A_22 = tpu.memref_slice %arg10[%dma_start3A, %dma_start3A_21] : memref<10000x32xf32, #tpu.memory_space<vmem_shared>> -> memref<400x32xf32, #tpu.memory_space<vmem_shared>>
        %dma_start3A_23 = arith.constant 9600 : i32
        %dma_start3A_24 = arith.constant 0 : i32
        %dma_start3A_25 = tpu.memref_slice %arg2[%dma_start3A_23, %dma_start3A_24] : memref<10000x32xf32, #tpu.memory_space<hbm>> -> memref<400x32xf32, #tpu.memory_space<hbm>>
        tpu.enqueue_dma source(%dma_start3A_25 : memref<400x32xf32, #tpu.memory_space<hbm>>) target(%dma_start3A_22 : memref<400x32xf32, #tpu.memory_space<vmem_shared>>) target_semaphore(%run_scoped3A : memref<!tpu.dma_semaphore, #tpu.memory_space<semaphore_mem>>)
        %dma_wait3A = arith.constant 9600 : i32
        %dma_wait3A_26 = arith.constant 0 : i32
        %dma_wait3A_27 = tpu.memref_slice %arg10[%dma_wait3A, %dma_wait3A_26] : memref<10000x32xf32, #tpu.memory_space<vmem_shared>> -> memref<400x32xf32, #tpu.memory_space<vmem_shared>>
        %dma_wait3A_28 = arith.constant 9600 : i32
        %dma_wait3A_29 = arith.constant 0 : i32
        %dma_wait3A_30 = tpu.memref_slice %arg2[%dma_wait3A_28, %dma_wait3A_29] : memref<10000x32xf32, #tpu.memory_space<hbm>> -> memref<400x32xf32, #tpu.memory_space<hbm>>
        tpu.wait_dma2 semaphore(%run_scoped3A : memref<!tpu.dma_semaphore, #tpu.memory_space<semaphore_mem>>) src(%dma_wait3A_30 : memref<400x32xf32, #tpu.memory_space<hbm>>) dst(%dma_wait3A_27 : memref<400x32xf32, #tpu.memory_space<vmem_shared>>)
        tpu.yield
      }) : () -> ()
    } else {
    }
    %mul3A_7 = arith.constant 640 : i32
    %mul3A_8 = arith.muli %arg1, %mul3A_7 : i32
    %mul3A_9 = arith.constant 640 : i32
    %mul3A_10 = arith.muli %arg1, %mul3A_9 : i32
    "tpu.region"() ({
      %run_scoped3A = tpu.sem_alloc : memref<!tpu.dma_semaphore, #tpu.memory_space<semaphore_mem>>
      %dma_start3A = arith.constant 0 : i32
      %dma_start3A_21 = tpu.memref_slice %arg11[%mul3A_10, %dma_start3A] : memref<10240x32xf32, #tpu.memory_space<vmem_shared>> -> memref<640x32xf32, #tpu.memory_space<vmem_shared>>
      %dma_start3A_22 = arith.constant 0 : i32
      %dma_start3A_23 = tpu.memref_slice %arg5[%mul3A_8, %dma_start3A_22] : memref<10240x32xf32, #tpu.memory_space<hbm>> -> memref<640x32xf32, #tpu.memory_space<hbm>>
      tpu.enqueue_dma source(%dma_start3A_23 : memref<640x32xf32, #tpu.memory_space<hbm>>) target(%dma_start3A_21 : memref<640x32xf32, #tpu.memory_space<vmem_shared>>) target_semaphore(%run_scoped3A : memref<!tpu.dma_semaphore, #tpu.memory_space<semaphore_mem>>)
      %dma_wait3A = arith.constant 0 : i32
      %dma_wait3A_24 = tpu.memref_slice %arg11[%mul3A_10, %dma_wait3A] : memref<10240x32xf32, #tpu.memory_space<vmem_shared>> -> memref<640x32xf32, #tpu.memory_space<vmem_shared>>
      %dma_wait3A_25 = arith.constant 0 : i32
      %dma_wait3A_26 = tpu.memref_slice %arg5[%mul3A_8, %dma_wait3A_25] : memref<10240x32xf32, #tpu.memory_space<hbm>> -> memref<640x32xf32, #tpu.memory_space<hbm>>
      tpu.wait_dma2 semaphore(%run_scoped3A : memref<!tpu.dma_semaphore, #tpu.memory_space<semaphore_mem>>) src(%dma_wait3A_26 : memref<640x32xf32, #tpu.memory_space<hbm>>) dst(%dma_wait3A_24 : memref<640x32xf32, #tpu.memory_space<vmem_shared>>)
      tpu.yield
    }) : () -> ()
    "tpu.region"() ({
      %run_scoped3A = tpu.sem_alloc : memref<!tpu.dma_semaphore, #tpu.memory_space<semaphore_mem>>
      %dma_start3A = arith.constant 0 : i32
      %dma_start3A_21 = arith.constant 0 : i32
      %dma_start3A_22 = tpu.memref_slice %arg3[%add3A, %dma_start3A, %dma_start3A_21] : memref<32x125x80xi32, #tpu.memory_space<hbm>> -> memref<1x125x80xi32, #tpu.memory_space<hbm>>
      %dma_start3A_23 = tpu.memref_squeeze %dma_start3A_22 : memref<1x125x80xi32, #tpu.memory_space<hbm>> -> memref<125x80xi32, #tpu.memory_space<hbm>>
      %dma_start3A_24 = arith.constant 0 : i32
      %dma_start3A_25 = arith.constant 0 : i32
      %dma_start3A_26 = tpu.memref_slice %arg3[%add3A, %dma_start3A_24, %dma_start3A_25] : memref<32x125x80xi32, #tpu.memory_space<hbm>> -> memref<1x125x80xi32, #tpu.memory_space<hbm>>
      %dma_start3A_27 = tpu.memref_squeeze %dma_start3A_26 : memref<1x125x80xi32, #tpu.memory_space<hbm>> -> memref<125x80xi32, #tpu.memory_space<hbm>>
      tpu.enqueue_dma source(%dma_start3A_27 : memref<125x80xi32, #tpu.memory_space<hbm>>) target(%arg7 : memref<125x80xi32, #tpu.memory_space<vmem>>) target_semaphore(%run_scoped3A : memref<!tpu.dma_semaphore, #tpu.memory_space<semaphore_mem>>)
      %dma_wait3A = arith.constant 0 : i32
      %dma_wait3A_28 = arith.constant 0 : i32
      %dma_wait3A_29 = tpu.memref_slice %arg3[%add3A, %dma_wait3A, %dma_wait3A_28] : memref<32x125x80xi32, #tpu.memory_space<hbm>> -> memref<1x125x80xi32, #tpu.memory_space<hbm>>
      %dma_wait3A_30 = tpu.memref_squeeze %dma_wait3A_29 : memref<1x125x80xi32, #tpu.memory_space<hbm>> -> memref<125x80xi32, #tpu.memory_space<hbm>>
      %dma_wait3A_31 = arith.constant 0 : i32
      %dma_wait3A_32 = arith.constant 0 : i32
      %dma_wait3A_33 = tpu.memref_slice %arg3[%add3A, %dma_wait3A_31, %dma_wait3A_32] : memref<32x125x80xi32, #tpu.memory_space<hbm>> -> memref<1x125x80xi32, #tpu.memory_space<hbm>>
      %dma_wait3A_34 = tpu.memref_squeeze %dma_wait3A_33 : memref<1x125x80xi32, #tpu.memory_space<hbm>> -> memref<125x80xi32, #tpu.memory_space<hbm>>
      tpu.wait_dma2 semaphore(%run_scoped3A : memref<!tpu.dma_semaphore, #tpu.memory_space<semaphore_mem>>) src(%dma_wait3A_34 : memref<125x80xi32, #tpu.memory_space<hbm>>) dst(%arg7 : memref<125x80xi32, #tpu.memory_space<vmem>>)
      tpu.yield
    }) : () -> ()
    "tpu.region"() ({
      %run_scoped3A = tpu.sem_alloc : memref<!tpu.dma_semaphore, #tpu.memory_space<semaphore_mem>>
      %dma_start3A = arith.constant 0 : i32
      %dma_start3A_21 = arith.constant 0 : i32
      %dma_start3A_22 = tpu.memref_slice %arg4[%add3A, %dma_start3A, %dma_start3A_21] : memref<32x125x80xi32, #tpu.memory_space<hbm>> -> memref<1x125x80xi32, #tpu.memory_space<hbm>>
      %dma_start3A_23 = tpu.memref_squeeze %dma_start3A_22 : memref<1x125x80xi32, #tpu.memory_space<hbm>> -> memref<125x80xi32, #tpu.memory_space<hbm>>
      %dma_start3A_24 = arith.constant 0 : i32
      %dma_start3A_25 = arith.constant 0 : i32
      %dma_start3A_26 = tpu.memref_slice %arg4[%add3A, %dma_start3A_24, %dma_start3A_25] : memref<32x125x80xi32, #tpu.memory_space<hbm>> -> memref<1x125x80xi32, #tpu.memory_space<hbm>>
      %dma_start3A_27 = tpu.memref_squeeze %dma_start3A_26 : memref<1x125x80xi32, #tpu.memory_space<hbm>> -> memref<125x80xi32, #tpu.memory_space<hbm>>
      tpu.enqueue_dma source(%dma_start3A_27 : memref<125x80xi32, #tpu.memory_space<hbm>>) target(%arg8 : memref<125x80xi32, #tpu.memory_space<vmem>>) target_semaphore(%run_scoped3A : memref<!tpu.dma_semaphore, #tpu.memory_space<semaphore_mem>>)
      %dma_wait3A = arith.constant 0 : i32
      %dma_wait3A_28 = arith.constant 0 : i32
      %dma_wait3A_29 = tpu.memref_slice %arg4[%add3A, %dma_wait3A, %dma_wait3A_28] : memref<32x125x80xi32, #tpu.memory_space<hbm>> -> memref<1x125x80xi32, #tpu.memory_space<hbm>>
      %dma_wait3A_30 = tpu.memref_squeeze %dma_wait3A_29 : memref<1x125x80xi32, #tpu.memory_space<hbm>> -> memref<125x80xi32, #tpu.memory_space<hbm>>
      %dma_wait3A_31 = arith.constant 0 : i32
      %dma_wait3A_32 = arith.constant 0 : i32
      %dma_wait3A_33 = tpu.memref_slice %arg4[%add3A, %dma_wait3A_31, %dma_wait3A_32] : memref<32x125x80xi32, #tpu.memory_space<hbm>> -> memref<1x125x80xi32, #tpu.memory_space<hbm>>
      %dma_wait3A_34 = tpu.memref_squeeze %dma_wait3A_33 : memref<1x125x80xi32, #tpu.memory_space<hbm>> -> memref<125x80xi32, #tpu.memory_space<hbm>>
      tpu.wait_dma2 semaphore(%run_scoped3A : memref<!tpu.dma_semaphore, #tpu.memory_space<semaphore_mem>>) src(%dma_wait3A_34 : memref<125x80xi32, #tpu.memory_space<hbm>>) dst(%arg8 : memref<125x80xi32, #tpu.memory_space<vmem>>)
      tpu.yield
    }) : () -> ()
    %barrier3A = arith.constant 0 : index
    tpu.barrier barrier_id(%barrier3A)
    %scan3A = arith.constant 0 : i32
    %scan3A_11 = arith.constant 0 : i32
    %scan3A_12 = arith.constant 125 : i32
    %scan3A_13 = arith.addi %scan3A_11, %scan3A_12 : i32
    %scan3A_14 = arith.constant 1 : i32
    scf.for %scan3A_21 = %scan3A_11 to %scan3A_13 step %scan3A_14  : i32 {
      "tpu.region"() ({
        %run_scoped3A = tpu.sem_alloc : memref<!tpu.dma_semaphore, #tpu.memory_space<semaphore_mem>>
        %dma_start3A = arith.constant 0 : i32
        %dma_start3A_22 = tpu.memref_slice %arg7[%scan3A_21, %dma_start3A] : memref<125x80xi32, #tpu.memory_space<vmem>> -> memref<1x80xi32, #tpu.memory_space<vmem>>
        %dma_start3A_23 = tpu.memref_squeeze %dma_start3A_22 : memref<1x80xi32, #tpu.memory_space<vmem>> -> memref<80xi32, #tpu.memory_space<vmem>>
        %dma_start3A_24 = arith.constant 0 : i32
        %dma_start3A_25 = arith.constant 0 : i32
        %dma_start3A_26 = tpu.memref_slice %arg10[%dma_start3A_24, %dma_start3A_25] : memref<10000x32xf32, #tpu.memory_space<vmem_shared>> -> memref<10000x32xf32, #tpu.memory_space<vmem_shared>>
        tpu.enqueue_indirect_dma source(%dma_start3A_26 : memref<10000x32xf32, #tpu.memory_space<vmem_shared>>) target(%arg9 : memref<80x32xf32, #tpu.memory_space<vmem>>) offsets(%dma_start3A_23 : memref<80xi32, #tpu.memory_space<vmem>>) semaphore(%run_scoped3A : memref<!tpu.dma_semaphore, #tpu.memory_space<semaphore_mem>>)
        %dma_wait3A = arith.constant 0 : i32
        %dma_wait3A_27 = tpu.memref_slice %arg7[%scan3A_21, %dma_wait3A] : memref<125x80xi32, #tpu.memory_space<vmem>> -> memref<1x80xi32, #tpu.memory_space<vmem>>
        %dma_wait3A_28 = tpu.memref_squeeze %dma_wait3A_27 : memref<1x80xi32, #tpu.memory_space<vmem>> -> memref<80xi32, #tpu.memory_space<vmem>>
        %dma_wait3A_29 = arith.constant 0 : i32
        %dma_wait3A_30 = arith.constant 0 : i32
        %dma_wait3A_31 = tpu.memref_slice %arg10[%dma_wait3A_29, %dma_wait3A_30] : memref<10000x32xf32, #tpu.memory_space<vmem_shared>> -> memref<10000x32xf32, #tpu.memory_space<vmem_shared>>
        tpu.wait_indirect_dma semaphore(%run_scoped3A : memref<!tpu.dma_semaphore, #tpu.memory_space<semaphore_mem>>) src(%dma_wait3A_31 : memref<10000x32xf32, #tpu.memory_space<vmem_shared>>) dst(%arg9 : memref<80x32xf32, #tpu.memory_space<vmem>>)
        tpu.yield
      }) : () -> ()
      "tpu.region"() ({
        %run_scoped3A = tpu.sem_alloc : memref<!tpu.dma_semaphore, #tpu.memory_space<semaphore_mem>>
        %dma_start3A = arith.constant 0 : i32
        %dma_start3A_22 = tpu.memref_slice %arg8[%scan3A_21, %dma_start3A] : memref<125x80xi32, #tpu.memory_space<vmem>> -> memref<1x80xi32, #tpu.memory_space<vmem>>
        %dma_start3A_23 = tpu.memref_squeeze %dma_start3A_22 : memref<1x80xi32, #tpu.memory_space<vmem>> -> memref<80xi32, #tpu.memory_space<vmem>>
        %dma_start3A_24 = arith.constant 0 : i32
        %dma_start3A_25 = arith.constant 0 : i32
        %dma_start3A_26 = tpu.memref_slice %arg11[%dma_start3A_24, %dma_start3A_25] : memref<10240x32xf32, #tpu.memory_space<vmem_shared>> -> memref<10240x32xf32, #tpu.memory_space<vmem_shared>>
        tpu.enqueue_indirect_dma source(%arg9 : memref<80x32xf32, #tpu.memory_space<vmem>>) target(%dma_start3A_26 : memref<10240x32xf32, #tpu.memory_space<vmem_shared>>) offsets(%dma_start3A_23 : memref<80xi32, #tpu.memory_space<vmem>>) semaphore(%run_scoped3A : memref<!tpu.dma_semaphore, #tpu.memory_space<semaphore_mem>>) {add = true}
        %dma_wait3A = arith.constant 0 : i32
        %dma_wait3A_27 = tpu.memref_slice %arg8[%scan3A_21, %dma_wait3A] : memref<125x80xi32, #tpu.memory_space<vmem>> -> memref<1x80xi32, #tpu.memory_space<vmem>>
        %dma_wait3A_28 = tpu.memref_squeeze %dma_wait3A_27 : memref<1x80xi32, #tpu.memory_space<vmem>> -> memref<80xi32, #tpu.memory_space<vmem>>
        %dma_wait3A_29 = arith.constant 0 : i32
        %dma_wait3A_30 = arith.constant 0 : i32
        %dma_wait3A_31 = tpu.memref_slice %arg11[%dma_wait3A_29, %dma_wait3A_30] : memref<10240x32xf32, #tpu.memory_space<vmem_shared>> -> memref<10240x32xf32, #tpu.memory_space<vmem_shared>>
        tpu.wait_indirect_dma semaphore(%run_scoped3A : memref<!tpu.dma_semaphore, #tpu.memory_space<semaphore_mem>>) src(%arg9 : memref<80x32xf32, #tpu.memory_space<vmem>>) dst(%dma_wait3A_31 : memref<10240x32xf32, #tpu.memory_space<vmem_shared>>)
        tpu.yield
      }) : () -> ()
    }
    %scan3A_15 = arith.constant 125 : i32
    %barrier3A_16 = arith.constant 0 : index
    tpu.barrier barrier_id(%barrier3A_16)
    %mul3A_17 = arith.constant 640 : i32
    %mul3A_18 = arith.muli %arg1, %mul3A_17 : i32
    %mul3A_19 = arith.constant 640 : i32
    %mul3A_20 = arith.muli %arg1, %mul3A_19 : i32
    "tpu.region"() ({
      %run_scoped3A = tpu.sem_alloc : memref<!tpu.dma_semaphore, #tpu.memory_space<semaphore_mem>>
      %dma_start3A = arith.constant 0 : i32
      %dma_start3A_21 = tpu.memref_slice %arg6[%arg0, %mul3A_20, %dma_start3A] : memref<2x10240x32xf32, #tpu.memory_space<hbm>> -> memref<1x640x32xf32, #tpu.memory_space<hbm>>
      %dma_start3A_22 = tpu.memref_squeeze %dma_start3A_21 : memref<1x640x32xf32, #tpu.memory_space<hbm>> -> memref<640x32xf32, #tpu.memory_space<hbm>>
      %dma_start3A_23 = arith.constant 0 : i32
      %dma_start3A_24 = tpu.memref_slice %arg11[%mul3A_18, %dma_start3A_23] : memref<10240x32xf32, #tpu.memory_space<vmem_shared>> -> memref<640x32xf32, #tpu.memory_space<vmem_shared>>
      tpu.enqueue_dma source(%dma_start3A_24 : memref<640x32xf32, #tpu.memory_space<vmem_shared>>) target(%dma_start3A_22 : memref<640x32xf32, #tpu.memory_space<hbm>>) target_semaphore(%run_scoped3A : memref<!tpu.dma_semaphore, #tpu.memory_space<semaphore_mem>>)
      %dma_wait3A = arith.constant 0 : i32
      %dma_wait3A_25 = tpu.memref_slice %arg6[%arg0, %mul3A_20, %dma_wait3A] : memref<2x10240x32xf32, #tpu.memory_space<hbm>> -> memref<1x640x32xf32, #tpu.memory_space<hbm>>
      %dma_wait3A_26 = tpu.memref_squeeze %dma_wait3A_25 : memref<1x640x32xf32, #tpu.memory_space<hbm>> -> memref<640x32xf32, #tpu.memory_space<hbm>>
      %dma_wait3A_27 = arith.constant 0 : i32
      %dma_wait3A_28 = tpu.memref_slice %arg11[%mul3A_18, %dma_wait3A_27] : memref<10240x32xf32, #tpu.memory_space<vmem_shared>> -> memref<640x32xf32, #tpu.memory_space<vmem_shared>>
      tpu.wait_dma2 semaphore(%run_scoped3A : memref<!tpu.dma_semaphore, #tpu.memory_space<semaphore_mem>>) src(%dma_wait3A_28 : memref<640x32xf32, #tpu.memory_space<vmem_shared>>) dst(%dma_wait3A_26 : memref<640x32xf32, #tpu.memory_space<hbm>>)
      tpu.yield
    }) : () -> ()
    return
  }
}

#map = affine_map<(d0, d1) -> (0, 0, 0)>
#map1 = affine_map<(d0, d1) -> (0, 0)>
module attributes {stable_mosaic.version = 14 : i64} {
  func.func @_deg_call(%arg0: i32, %arg1: i32, %arg2: memref<32x125x80xi32, #tpu.memory_space<hbm>>, %arg3: memref<80x16xf32, #tpu.memory_space<hbm>>, %arg4: memref<10240x16xf32, #tpu.memory_space<hbm>>, %arg5: memref<2x10240x16xf32, #tpu.memory_space<hbm>>, %arg6: memref<125x80xi32, #tpu.memory_space<vmem>>, %arg7: memref<80x16xf32, #tpu.memory_space<vmem>>, %arg8: memref<10240x16xf32, #tpu.memory_space<vmem_shared>>) attributes {dimension_semantics = [#tpu.dimension_semantics<core_parallel>, #tpu.dimension_semantics<subcore_parallel>], iteration_bounds = array<i64: 2, 16>, scalar_prefetch = 0 : i64, scratch_operands = 3 : i64, tpu.core_type = #tpu.core_type<sc_vector_subcore>, window_params = [{transform_indices = #map}, {transform_indices = #map1}, {transform_indices = #map1}, {transform_indices = #map}]} {
    %mul3A = arith.constant 2 : i32
    %mul3A_0 = arith.muli %arg1, %mul3A : i32
    %add3A = arith.addi %mul3A_0, %arg0 : i32
    %mul3A_1 = arith.constant 640 : i32
    %mul3A_2 = arith.muli %arg1, %mul3A_1 : i32
    %mul3A_3 = arith.constant 640 : i32
    %mul3A_4 = arith.muli %arg1, %mul3A_3 : i32
    "tpu.region"() ({
      %run_scoped3A = tpu.sem_alloc : memref<!tpu.dma_semaphore, #tpu.memory_space<semaphore_mem>>
      %dma_start3A = arith.constant 0 : i32
      %dma_start3A_15 = tpu.memref_slice %arg8[%mul3A_4, %dma_start3A] : memref<10240x16xf32, #tpu.memory_space<vmem_shared>> -> memref<640x16xf32, #tpu.memory_space<vmem_shared>>
      %dma_start3A_16 = arith.constant 0 : i32
      %dma_start3A_17 = tpu.memref_slice %arg4[%mul3A_2, %dma_start3A_16] : memref<10240x16xf32, #tpu.memory_space<hbm>> -> memref<640x16xf32, #tpu.memory_space<hbm>>
      tpu.enqueue_dma source(%dma_start3A_17 : memref<640x16xf32, #tpu.memory_space<hbm>>) target(%dma_start3A_15 : memref<640x16xf32, #tpu.memory_space<vmem_shared>>) target_semaphore(%run_scoped3A : memref<!tpu.dma_semaphore, #tpu.memory_space<semaphore_mem>>)
      %dma_wait3A = arith.constant 0 : i32
      %dma_wait3A_18 = tpu.memref_slice %arg8[%mul3A_4, %dma_wait3A] : memref<10240x16xf32, #tpu.memory_space<vmem_shared>> -> memref<640x16xf32, #tpu.memory_space<vmem_shared>>
      %dma_wait3A_19 = arith.constant 0 : i32
      %dma_wait3A_20 = tpu.memref_slice %arg4[%mul3A_2, %dma_wait3A_19] : memref<10240x16xf32, #tpu.memory_space<hbm>> -> memref<640x16xf32, #tpu.memory_space<hbm>>
      tpu.wait_dma2 semaphore(%run_scoped3A : memref<!tpu.dma_semaphore, #tpu.memory_space<semaphore_mem>>) src(%dma_wait3A_20 : memref<640x16xf32, #tpu.memory_space<hbm>>) dst(%dma_wait3A_18 : memref<640x16xf32, #tpu.memory_space<vmem_shared>>)
      tpu.yield
    }) : () -> ()
    "tpu.region"() ({
      %run_scoped3A = tpu.sem_alloc : memref<!tpu.dma_semaphore, #tpu.memory_space<semaphore_mem>>
      tpu.enqueue_dma source(%arg3 : memref<80x16xf32, #tpu.memory_space<hbm>>) target(%arg7 : memref<80x16xf32, #tpu.memory_space<vmem>>) target_semaphore(%run_scoped3A : memref<!tpu.dma_semaphore, #tpu.memory_space<semaphore_mem>>)
      tpu.wait_dma2 semaphore(%run_scoped3A : memref<!tpu.dma_semaphore, #tpu.memory_space<semaphore_mem>>) src(%arg3 : memref<80x16xf32, #tpu.memory_space<hbm>>) dst(%arg7 : memref<80x16xf32, #tpu.memory_space<vmem>>)
      tpu.yield
    }) : () -> ()
    "tpu.region"() ({
      %run_scoped3A = tpu.sem_alloc : memref<!tpu.dma_semaphore, #tpu.memory_space<semaphore_mem>>
      %dma_start3A = arith.constant 0 : i32
      %dma_start3A_15 = arith.constant 0 : i32
      %dma_start3A_16 = tpu.memref_slice %arg2[%add3A, %dma_start3A, %dma_start3A_15] : memref<32x125x80xi32, #tpu.memory_space<hbm>> -> memref<1x125x80xi32, #tpu.memory_space<hbm>>
      %dma_start3A_17 = tpu.memref_squeeze %dma_start3A_16 : memref<1x125x80xi32, #tpu.memory_space<hbm>> -> memref<125x80xi32, #tpu.memory_space<hbm>>
      %dma_start3A_18 = arith.constant 0 : i32
      %dma_start3A_19 = arith.constant 0 : i32
      %dma_start3A_20 = tpu.memref_slice %arg2[%add3A, %dma_start3A_18, %dma_start3A_19] : memref<32x125x80xi32, #tpu.memory_space<hbm>> -> memref<1x125x80xi32, #tpu.memory_space<hbm>>
      %dma_start3A_21 = tpu.memref_squeeze %dma_start3A_20 : memref<1x125x80xi32, #tpu.memory_space<hbm>> -> memref<125x80xi32, #tpu.memory_space<hbm>>
      tpu.enqueue_dma source(%dma_start3A_21 : memref<125x80xi32, #tpu.memory_space<hbm>>) target(%arg6 : memref<125x80xi32, #tpu.memory_space<vmem>>) target_semaphore(%run_scoped3A : memref<!tpu.dma_semaphore, #tpu.memory_space<semaphore_mem>>)
      %dma_wait3A = arith.constant 0 : i32
      %dma_wait3A_22 = arith.constant 0 : i32
      %dma_wait3A_23 = tpu.memref_slice %arg2[%add3A, %dma_wait3A, %dma_wait3A_22] : memref<32x125x80xi32, #tpu.memory_space<hbm>> -> memref<1x125x80xi32, #tpu.memory_space<hbm>>
      %dma_wait3A_24 = tpu.memref_squeeze %dma_wait3A_23 : memref<1x125x80xi32, #tpu.memory_space<hbm>> -> memref<125x80xi32, #tpu.memory_space<hbm>>
      %dma_wait3A_25 = arith.constant 0 : i32
      %dma_wait3A_26 = arith.constant 0 : i32
      %dma_wait3A_27 = tpu.memref_slice %arg2[%add3A, %dma_wait3A_25, %dma_wait3A_26] : memref<32x125x80xi32, #tpu.memory_space<hbm>> -> memref<1x125x80xi32, #tpu.memory_space<hbm>>
      %dma_wait3A_28 = tpu.memref_squeeze %dma_wait3A_27 : memref<1x125x80xi32, #tpu.memory_space<hbm>> -> memref<125x80xi32, #tpu.memory_space<hbm>>
      tpu.wait_dma2 semaphore(%run_scoped3A : memref<!tpu.dma_semaphore, #tpu.memory_space<semaphore_mem>>) src(%dma_wait3A_28 : memref<125x80xi32, #tpu.memory_space<hbm>>) dst(%arg6 : memref<125x80xi32, #tpu.memory_space<vmem>>)
      tpu.yield
    }) : () -> ()
    %barrier3A = arith.constant 0 : index
    tpu.barrier barrier_id(%barrier3A)
    %scan3A = arith.constant 0 : i32
    %scan3A_5 = arith.constant 0 : i32
    %scan3A_6 = arith.constant 125 : i32
    %scan3A_7 = arith.addi %scan3A_5, %scan3A_6 : i32
    %scan3A_8 = arith.constant 1 : i32
    scf.for %scan3A_15 = %scan3A_5 to %scan3A_7 step %scan3A_8  : i32 {
      "tpu.region"() ({
        %run_scoped3A = tpu.sem_alloc : memref<!tpu.dma_semaphore, #tpu.memory_space<semaphore_mem>>
        %dma_start3A = arith.constant 0 : i32
        %dma_start3A_16 = tpu.memref_slice %arg6[%scan3A_15, %dma_start3A] : memref<125x80xi32, #tpu.memory_space<vmem>> -> memref<1x80xi32, #tpu.memory_space<vmem>>
        %dma_start3A_17 = tpu.memref_squeeze %dma_start3A_16 : memref<1x80xi32, #tpu.memory_space<vmem>> -> memref<80xi32, #tpu.memory_space<vmem>>
        %dma_start3A_18 = arith.constant 0 : i32
        %dma_start3A_19 = arith.constant 0 : i32
        %dma_start3A_20 = tpu.memref_slice %arg8[%dma_start3A_18, %dma_start3A_19] : memref<10240x16xf32, #tpu.memory_space<vmem_shared>> -> memref<10240x16xf32, #tpu.memory_space<vmem_shared>>
        tpu.enqueue_indirect_dma source(%arg7 : memref<80x16xf32, #tpu.memory_space<vmem>>) target(%dma_start3A_20 : memref<10240x16xf32, #tpu.memory_space<vmem_shared>>) offsets(%dma_start3A_17 : memref<80xi32, #tpu.memory_space<vmem>>) semaphore(%run_scoped3A : memref<!tpu.dma_semaphore, #tpu.memory_space<semaphore_mem>>) {add = true}
        %dma_wait3A = arith.constant 0 : i32
        %dma_wait3A_21 = tpu.memref_slice %arg6[%scan3A_15, %dma_wait3A] : memref<125x80xi32, #tpu.memory_space<vmem>> -> memref<1x80xi32, #tpu.memory_space<vmem>>
        %dma_wait3A_22 = tpu.memref_squeeze %dma_wait3A_21 : memref<1x80xi32, #tpu.memory_space<vmem>> -> memref<80xi32, #tpu.memory_space<vmem>>
        %dma_wait3A_23 = arith.constant 0 : i32
        %dma_wait3A_24 = arith.constant 0 : i32
        %dma_wait3A_25 = tpu.memref_slice %arg8[%dma_wait3A_23, %dma_wait3A_24] : memref<10240x16xf32, #tpu.memory_space<vmem_shared>> -> memref<10240x16xf32, #tpu.memory_space<vmem_shared>>
        tpu.wait_indirect_dma semaphore(%run_scoped3A : memref<!tpu.dma_semaphore, #tpu.memory_space<semaphore_mem>>) src(%arg7 : memref<80x16xf32, #tpu.memory_space<vmem>>) dst(%dma_wait3A_25 : memref<10240x16xf32, #tpu.memory_space<vmem_shared>>)
        tpu.yield
      }) : () -> ()
    }
    %scan3A_9 = arith.constant 125 : i32
    %barrier3A_10 = arith.constant 0 : index
    tpu.barrier barrier_id(%barrier3A_10)
    %mul3A_11 = arith.constant 640 : i32
    %mul3A_12 = arith.muli %arg1, %mul3A_11 : i32
    %mul3A_13 = arith.constant 640 : i32
    %mul3A_14 = arith.muli %arg1, %mul3A_13 : i32
    "tpu.region"() ({
      %run_scoped3A = tpu.sem_alloc : memref<!tpu.dma_semaphore, #tpu.memory_space<semaphore_mem>>
      %dma_start3A = arith.constant 0 : i32
      %dma_start3A_15 = tpu.memref_slice %arg5[%arg0, %mul3A_14, %dma_start3A] : memref<2x10240x16xf32, #tpu.memory_space<hbm>> -> memref<1x640x16xf32, #tpu.memory_space<hbm>>
      %dma_start3A_16 = tpu.memref_squeeze %dma_start3A_15 : memref<1x640x16xf32, #tpu.memory_space<hbm>> -> memref<640x16xf32, #tpu.memory_space<hbm>>
      %dma_start3A_17 = arith.constant 0 : i32
      %dma_start3A_18 = tpu.memref_slice %arg8[%mul3A_12, %dma_start3A_17] : memref<10240x16xf32, #tpu.memory_space<vmem_shared>> -> memref<640x16xf32, #tpu.memory_space<vmem_shared>>
      tpu.enqueue_dma source(%dma_start3A_18 : memref<640x16xf32, #tpu.memory_space<vmem_shared>>) target(%dma_start3A_16 : memref<640x16xf32, #tpu.memory_space<hbm>>) target_semaphore(%run_scoped3A : memref<!tpu.dma_semaphore, #tpu.memory_space<semaphore_mem>>)
      %dma_wait3A = arith.constant 0 : i32
      %dma_wait3A_19 = tpu.memref_slice %arg5[%arg0, %mul3A_14, %dma_wait3A] : memref<2x10240x16xf32, #tpu.memory_space<hbm>> -> memref<1x640x16xf32, #tpu.memory_space<hbm>>
      %dma_wait3A_20 = tpu.memref_squeeze %dma_wait3A_19 : memref<1x640x16xf32, #tpu.memory_space<hbm>> -> memref<640x16xf32, #tpu.memory_space<hbm>>
      %dma_wait3A_21 = arith.constant 0 : i32
      %dma_wait3A_22 = tpu.memref_slice %arg8[%mul3A_12, %dma_wait3A_21] : memref<10240x16xf32, #tpu.memory_space<vmem_shared>> -> memref<640x16xf32, #tpu.memory_space<vmem_shared>>
      tpu.wait_dma2 semaphore(%run_scoped3A : memref<!tpu.dma_semaphore, #tpu.memory_space<semaphore_mem>>) src(%dma_wait3A_22 : memref<640x16xf32, #tpu.memory_space<vmem_shared>>) dst(%dma_wait3A_20 : memref<640x16xf32, #tpu.memory_space<hbm>>)
      tpu.yield
    }) : () -> ()
    return
  }
}

#map = affine_map<(d0, d1) -> (0, 0)>
#map1 = affine_map<(d0, d1) -> (0, 0, 0)>
module attributes {stable_mosaic.version = 14 : i64} {
  func.func @_spmm_call(%arg0: i32, %arg1: i32, %arg2: memref<10000x32xf32, #tpu.memory_space<hbm>>, %arg3: memref<32x125x80xi32, #tpu.memory_space<hbm>>, %arg4: memref<32x125x80xi32, #tpu.memory_space<hbm>>, %arg5: memref<10240x32xf32, #tpu.memory_space<hbm>>, %arg6: memref<2x10240x32xf32, #tpu.memory_space<hbm>>, %arg7: memref<125x80xi32, #tpu.memory_space<vmem>>, %arg8: memref<125x80xi32, #tpu.memory_space<vmem>>, %arg9: memref<80x32xf32, #tpu.memory_space<vmem>>, %arg10: memref<10000x32xf32, #tpu.memory_space<vmem_shared>>, %arg11: memref<10240x32xf32, #tpu.memory_space<vmem_shared>>) attributes {dimension_semantics = [#tpu.dimension_semantics<core_parallel>, #tpu.dimension_semantics<subcore_parallel>], iteration_bounds = array<i64: 2, 16>, scalar_prefetch = 0 : i64, scratch_operands = 5 : i64, tpu.core_type = #tpu.core_type<sc_vector_subcore>, window_params = [{transform_indices = #map}, {transform_indices = #map1}, {transform_indices = #map1}, {transform_indices = #map}, {transform_indices = #map1}]} {
    %mul3A = arith.constant 2 : i32
    %mul3A_0 = arith.muli %arg1, %mul3A : i32
    %add3A = arith.addi %mul3A_0, %arg0 : i32
    %lt3A = arith.constant 15 : i32
    %lt3A_1 = arith.cmpi slt, %arg1, %lt3A : i32
    %convert_element_type3A = arith.extui %lt3A_1 : i1 to i32
    %cond3A = arith.constant 0 : i32
    %cond3A_2 = arith.cmpi ne, %convert_element_type3A, %cond3A : i32
    scf.if %cond3A_2 {
      %mul3A_21 = arith.constant 640 : i32
      %mul3A_22 = arith.muli %arg1, %mul3A_21 : i32
      %mul3A_23 = arith.constant 640 : i32
      %mul3A_24 = arith.muli %arg1, %mul3A_23 : i32
      "tpu.region"() ({
        %run_scoped3A = tpu.sem_alloc : memref<!tpu.dma_semaphore, #tpu.memory_space<semaphore_mem>>
        %dma_start3A = arith.constant 0 : i32
        %dma_start3A_25 = tpu.memref_slice %arg10[%mul3A_24, %dma_start3A] : memref<10000x32xf32, #tpu.memory_space<vmem_shared>> -> memref<640x32xf32, #tpu.memory_space<vmem_shared>>
        %dma_start3A_26 = arith.constant 0 : i32
        %dma_start3A_27 = tpu.memref_slice %arg2[%mul3A_22, %dma_start3A_26] : memref<10000x32xf32, #tpu.memory_space<hbm>> -> memref<640x32xf32, #tpu.memory_space<hbm>>
        tpu.enqueue_dma source(%dma_start3A_27 : memref<640x32xf32, #tpu.memory_space<hbm>>) target(%dma_start3A_25 : memref<640x32xf32, #tpu.memory_space<vmem_shared>>) target_semaphore(%run_scoped3A : memref<!tpu.dma_semaphore, #tpu.memory_space<semaphore_mem>>)
        %dma_wait3A = arith.constant 0 : i32
        %dma_wait3A_28 = tpu.memref_slice %arg10[%mul3A_24, %dma_wait3A] : memref<10000x32xf32, #tpu.memory_space<vmem_shared>> -> memref<640x32xf32, #tpu.memory_space<vmem_shared>>
        %dma_wait3A_29 = arith.constant 0 : i32
        %dma_wait3A_30 = tpu.memref_slice %arg2[%mul3A_22, %dma_wait3A_29] : memref<10000x32xf32, #tpu.memory_space<hbm>> -> memref<640x32xf32, #tpu.memory_space<hbm>>
        tpu.wait_dma2 semaphore(%run_scoped3A : memref<!tpu.dma_semaphore, #tpu.memory_space<semaphore_mem>>) src(%dma_wait3A_30 : memref<640x32xf32, #tpu.memory_space<hbm>>) dst(%dma_wait3A_28 : memref<640x32xf32, #tpu.memory_space<vmem_shared>>)
        tpu.yield
      }) : () -> ()
    } else {
    }
    %eq3A = arith.constant 15 : i32
    %eq3A_3 = arith.cmpi eq, %arg1, %eq3A : i32
    %convert_element_type3A_4 = arith.extui %eq3A_3 : i1 to i32
    %cond3A_5 = arith.constant 0 : i32
    %cond3A_6 = arith.cmpi ne, %convert_element_type3A_4, %cond3A_5 : i32
    scf.if %cond3A_6 {
      "tpu.region"() ({
        %run_scoped3A = tpu.sem_alloc : memref<!tpu.dma_semaphore, #tpu.memory_space<semaphore_mem>>
        %dma_start3A = arith.constant 9600 : i32
        %dma_start3A_21 = arith.constant 0 : i32
        %dma_start3A_22 = tpu.memref_slice %arg10[%dma_start3A, %dma_start3A_21] : memref<10000x32xf32, #tpu.memory_space<vmem_shared>> -> memref<400x32xf32, #tpu.memory_space<vmem_shared>>
        %dma_start3A_23 = arith.constant 9600 : i32
        %dma_start3A_24 = arith.constant 0 : i32
        %dma_start3A_25 = tpu.memref_slice %arg2[%dma_start3A_23, %dma_start3A_24] : memref<10000x32xf32, #tpu.memory_space<hbm>> -> memref<400x32xf32, #tpu.memory_space<hbm>>
        tpu.enqueue_dma source(%dma_start3A_25 : memref<400x32xf32, #tpu.memory_space<hbm>>) target(%dma_start3A_22 : memref<400x32xf32, #tpu.memory_space<vmem_shared>>) target_semaphore(%run_scoped3A : memref<!tpu.dma_semaphore, #tpu.memory_space<semaphore_mem>>)
        %dma_wait3A = arith.constant 9600 : i32
        %dma_wait3A_26 = arith.constant 0 : i32
        %dma_wait3A_27 = tpu.memref_slice %arg10[%dma_wait3A, %dma_wait3A_26] : memref<10000x32xf32, #tpu.memory_space<vmem_shared>> -> memref<400x32xf32, #tpu.memory_space<vmem_shared>>
        %dma_wait3A_28 = arith.constant 9600 : i32
        %dma_wait3A_29 = arith.constant 0 : i32
        %dma_wait3A_30 = tpu.memref_slice %arg2[%dma_wait3A_28, %dma_wait3A_29] : memref<10000x32xf32, #tpu.memory_space<hbm>> -> memref<400x32xf32, #tpu.memory_space<hbm>>
        tpu.wait_dma2 semaphore(%run_scoped3A : memref<!tpu.dma_semaphore, #tpu.memory_space<semaphore_mem>>) src(%dma_wait3A_30 : memref<400x32xf32, #tpu.memory_space<hbm>>) dst(%dma_wait3A_27 : memref<400x32xf32, #tpu.memory_space<vmem_shared>>)
        tpu.yield
      }) : () -> ()
    } else {
    }
    %mul3A_7 = arith.constant 640 : i32
    %mul3A_8 = arith.muli %arg1, %mul3A_7 : i32
    %mul3A_9 = arith.constant 640 : i32
    %mul3A_10 = arith.muli %arg1, %mul3A_9 : i32
    "tpu.region"() ({
      %run_scoped3A = tpu.sem_alloc : memref<!tpu.dma_semaphore, #tpu.memory_space<semaphore_mem>>
      %dma_start3A = arith.constant 0 : i32
      %dma_start3A_21 = tpu.memref_slice %arg11[%mul3A_10, %dma_start3A] : memref<10240x32xf32, #tpu.memory_space<vmem_shared>> -> memref<640x32xf32, #tpu.memory_space<vmem_shared>>
      %dma_start3A_22 = arith.constant 0 : i32
      %dma_start3A_23 = tpu.memref_slice %arg5[%mul3A_8, %dma_start3A_22] : memref<10240x32xf32, #tpu.memory_space<hbm>> -> memref<640x32xf32, #tpu.memory_space<hbm>>
      tpu.enqueue_dma source(%dma_start3A_23 : memref<640x32xf32, #tpu.memory_space<hbm>>) target(%dma_start3A_21 : memref<640x32xf32, #tpu.memory_space<vmem_shared>>) target_semaphore(%run_scoped3A : memref<!tpu.dma_semaphore, #tpu.memory_space<semaphore_mem>>)
      %dma_wait3A = arith.constant 0 : i32
      %dma_wait3A_24 = tpu.memref_slice %arg11[%mul3A_10, %dma_wait3A] : memref<10240x32xf32, #tpu.memory_space<vmem_shared>> -> memref<640x32xf32, #tpu.memory_space<vmem_shared>>
      %dma_wait3A_25 = arith.constant 0 : i32
      %dma_wait3A_26 = tpu.memref_slice %arg5[%mul3A_8, %dma_wait3A_25] : memref<10240x32xf32, #tpu.memory_space<hbm>> -> memref<640x32xf32, #tpu.memory_space<hbm>>
      tpu.wait_dma2 semaphore(%run_scoped3A : memref<!tpu.dma_semaphore, #tpu.memory_space<semaphore_mem>>) src(%dma_wait3A_26 : memref<640x32xf32, #tpu.memory_space<hbm>>) dst(%dma_wait3A_24 : memref<640x32xf32, #tpu.memory_space<vmem_shared>>)
      tpu.yield
    }) : () -> ()
    "tpu.region"() ({
      %run_scoped3A = tpu.sem_alloc : memref<!tpu.dma_semaphore, #tpu.memory_space<semaphore_mem>>
      %dma_start3A = arith.constant 0 : i32
      %dma_start3A_21 = arith.constant 0 : i32
      %dma_start3A_22 = tpu.memref_slice %arg3[%add3A, %dma_start3A, %dma_start3A_21] : memref<32x125x80xi32, #tpu.memory_space<hbm>> -> memref<1x125x80xi32, #tpu.memory_space<hbm>>
      %dma_start3A_23 = tpu.memref_squeeze %dma_start3A_22 : memref<1x125x80xi32, #tpu.memory_space<hbm>> -> memref<125x80xi32, #tpu.memory_space<hbm>>
      %dma_start3A_24 = arith.constant 0 : i32
      %dma_start3A_25 = arith.constant 0 : i32
      %dma_start3A_26 = tpu.memref_slice %arg3[%add3A, %dma_start3A_24, %dma_start3A_25] : memref<32x125x80xi32, #tpu.memory_space<hbm>> -> memref<1x125x80xi32, #tpu.memory_space<hbm>>
      %dma_start3A_27 = tpu.memref_squeeze %dma_start3A_26 : memref<1x125x80xi32, #tpu.memory_space<hbm>> -> memref<125x80xi32, #tpu.memory_space<hbm>>
      tpu.enqueue_dma source(%dma_start3A_27 : memref<125x80xi32, #tpu.memory_space<hbm>>) target(%arg7 : memref<125x80xi32, #tpu.memory_space<vmem>>) target_semaphore(%run_scoped3A : memref<!tpu.dma_semaphore, #tpu.memory_space<semaphore_mem>>)
      %dma_wait3A = arith.constant 0 : i32
      %dma_wait3A_28 = arith.constant 0 : i32
      %dma_wait3A_29 = tpu.memref_slice %arg3[%add3A, %dma_wait3A, %dma_wait3A_28] : memref<32x125x80xi32, #tpu.memory_space<hbm>> -> memref<1x125x80xi32, #tpu.memory_space<hbm>>
      %dma_wait3A_30 = tpu.memref_squeeze %dma_wait3A_29 : memref<1x125x80xi32, #tpu.memory_space<hbm>> -> memref<125x80xi32, #tpu.memory_space<hbm>>
      %dma_wait3A_31 = arith.constant 0 : i32
      %dma_wait3A_32 = arith.constant 0 : i32
      %dma_wait3A_33 = tpu.memref_slice %arg3[%add3A, %dma_wait3A_31, %dma_wait3A_32] : memref<32x125x80xi32, #tpu.memory_space<hbm>> -> memref<1x125x80xi32, #tpu.memory_space<hbm>>
      %dma_wait3A_34 = tpu.memref_squeeze %dma_wait3A_33 : memref<1x125x80xi32, #tpu.memory_space<hbm>> -> memref<125x80xi32, #tpu.memory_space<hbm>>
      tpu.wait_dma2 semaphore(%run_scoped3A : memref<!tpu.dma_semaphore, #tpu.memory_space<semaphore_mem>>) src(%dma_wait3A_34 : memref<125x80xi32, #tpu.memory_space<hbm>>) dst(%arg7 : memref<125x80xi32, #tpu.memory_space<vmem>>)
      tpu.yield
    }) : () -> ()
    "tpu.region"() ({
      %run_scoped3A = tpu.sem_alloc : memref<!tpu.dma_semaphore, #tpu.memory_space<semaphore_mem>>
      %dma_start3A = arith.constant 0 : i32
      %dma_start3A_21 = arith.constant 0 : i32
      %dma_start3A_22 = tpu.memref_slice %arg4[%add3A, %dma_start3A, %dma_start3A_21] : memref<32x125x80xi32, #tpu.memory_space<hbm>> -> memref<1x125x80xi32, #tpu.memory_space<hbm>>
      %dma_start3A_23 = tpu.memref_squeeze %dma_start3A_22 : memref<1x125x80xi32, #tpu.memory_space<hbm>> -> memref<125x80xi32, #tpu.memory_space<hbm>>
      %dma_start3A_24 = arith.constant 0 : i32
      %dma_start3A_25 = arith.constant 0 : i32
      %dma_start3A_26 = tpu.memref_slice %arg4[%add3A, %dma_start3A_24, %dma_start3A_25] : memref<32x125x80xi32, #tpu.memory_space<hbm>> -> memref<1x125x80xi32, #tpu.memory_space<hbm>>
      %dma_start3A_27 = tpu.memref_squeeze %dma_start3A_26 : memref<1x125x80xi32, #tpu.memory_space<hbm>> -> memref<125x80xi32, #tpu.memory_space<hbm>>
      tpu.enqueue_dma source(%dma_start3A_27 : memref<125x80xi32, #tpu.memory_space<hbm>>) target(%arg8 : memref<125x80xi32, #tpu.memory_space<vmem>>) target_semaphore(%run_scoped3A : memref<!tpu.dma_semaphore, #tpu.memory_space<semaphore_mem>>)
      %dma_wait3A = arith.constant 0 : i32
      %dma_wait3A_28 = arith.constant 0 : i32
      %dma_wait3A_29 = tpu.memref_slice %arg4[%add3A, %dma_wait3A, %dma_wait3A_28] : memref<32x125x80xi32, #tpu.memory_space<hbm>> -> memref<1x125x80xi32, #tpu.memory_space<hbm>>
      %dma_wait3A_30 = tpu.memref_squeeze %dma_wait3A_29 : memref<1x125x80xi32, #tpu.memory_space<hbm>> -> memref<125x80xi32, #tpu.memory_space<hbm>>
      %dma_wait3A_31 = arith.constant 0 : i32
      %dma_wait3A_32 = arith.constant 0 : i32
      %dma_wait3A_33 = tpu.memref_slice %arg4[%add3A, %dma_wait3A_31, %dma_wait3A_32] : memref<32x125x80xi32, #tpu.memory_space<hbm>> -> memref<1x125x80xi32, #tpu.memory_space<hbm>>
      %dma_wait3A_34 = tpu.memref_squeeze %dma_wait3A_33 : memref<1x125x80xi32, #tpu.memory_space<hbm>> -> memref<125x80xi32, #tpu.memory_space<hbm>>
      tpu.wait_dma2 semaphore(%run_scoped3A : memref<!tpu.dma_semaphore, #tpu.memory_space<semaphore_mem>>) src(%dma_wait3A_34 : memref<125x80xi32, #tpu.memory_space<hbm>>) dst(%arg8 : memref<125x80xi32, #tpu.memory_space<vmem>>)
      tpu.yield
    }) : () -> ()
    %barrier3A = arith.constant 0 : index
    tpu.barrier barrier_id(%barrier3A)
    %scan3A = arith.constant 0 : i32
    %scan3A_11 = arith.constant 0 : i32
    %scan3A_12 = arith.constant 125 : i32
    %scan3A_13 = arith.addi %scan3A_11, %scan3A_12 : i32
    %scan3A_14 = arith.constant 1 : i32
    scf.for %scan3A_21 = %scan3A_11 to %scan3A_13 step %scan3A_14  : i32 {
      "tpu.region"() ({
        %run_scoped3A = tpu.sem_alloc : memref<!tpu.dma_semaphore, #tpu.memory_space<semaphore_mem>>
        %dma_start3A = arith.constant 0 : i32
        %dma_start3A_22 = tpu.memref_slice %arg7[%scan3A_21, %dma_start3A] : memref<125x80xi32, #tpu.memory_space<vmem>> -> memref<1x80xi32, #tpu.memory_space<vmem>>
        %dma_start3A_23 = tpu.memref_squeeze %dma_start3A_22 : memref<1x80xi32, #tpu.memory_space<vmem>> -> memref<80xi32, #tpu.memory_space<vmem>>
        %dma_start3A_24 = arith.constant 0 : i32
        %dma_start3A_25 = arith.constant 0 : i32
        %dma_start3A_26 = tpu.memref_slice %arg10[%dma_start3A_24, %dma_start3A_25] : memref<10000x32xf32, #tpu.memory_space<vmem_shared>> -> memref<10000x32xf32, #tpu.memory_space<vmem_shared>>
        tpu.enqueue_indirect_dma source(%dma_start3A_26 : memref<10000x32xf32, #tpu.memory_space<vmem_shared>>) target(%arg9 : memref<80x32xf32, #tpu.memory_space<vmem>>) offsets(%dma_start3A_23 : memref<80xi32, #tpu.memory_space<vmem>>) semaphore(%run_scoped3A : memref<!tpu.dma_semaphore, #tpu.memory_space<semaphore_mem>>)
        %dma_wait3A = arith.constant 0 : i32
        %dma_wait3A_27 = tpu.memref_slice %arg7[%scan3A_21, %dma_wait3A] : memref<125x80xi32, #tpu.memory_space<vmem>> -> memref<1x80xi32, #tpu.memory_space<vmem>>
        %dma_wait3A_28 = tpu.memref_squeeze %dma_wait3A_27 : memref<1x80xi32, #tpu.memory_space<vmem>> -> memref<80xi32, #tpu.memory_space<vmem>>
        %dma_wait3A_29 = arith.constant 0 : i32
        %dma_wait3A_30 = arith.constant 0 : i32
        %dma_wait3A_31 = tpu.memref_slice %arg10[%dma_wait3A_29, %dma_wait3A_30] : memref<10000x32xf32, #tpu.memory_space<vmem_shared>> -> memref<10000x32xf32, #tpu.memory_space<vmem_shared>>
        tpu.wait_indirect_dma semaphore(%run_scoped3A : memref<!tpu.dma_semaphore, #tpu.memory_space<semaphore_mem>>) src(%dma_wait3A_31 : memref<10000x32xf32, #tpu.memory_space<vmem_shared>>) dst(%arg9 : memref<80x32xf32, #tpu.memory_space<vmem>>)
        tpu.yield
      }) : () -> ()
      "tpu.region"() ({
        %run_scoped3A = tpu.sem_alloc : memref<!tpu.dma_semaphore, #tpu.memory_space<semaphore_mem>>
        %dma_start3A = arith.constant 0 : i32
        %dma_start3A_22 = tpu.memref_slice %arg8[%scan3A_21, %dma_start3A] : memref<125x80xi32, #tpu.memory_space<vmem>> -> memref<1x80xi32, #tpu.memory_space<vmem>>
        %dma_start3A_23 = tpu.memref_squeeze %dma_start3A_22 : memref<1x80xi32, #tpu.memory_space<vmem>> -> memref<80xi32, #tpu.memory_space<vmem>>
        %dma_start3A_24 = arith.constant 0 : i32
        %dma_start3A_25 = arith.constant 0 : i32
        %dma_start3A_26 = tpu.memref_slice %arg11[%dma_start3A_24, %dma_start3A_25] : memref<10240x32xf32, #tpu.memory_space<vmem_shared>> -> memref<10240x32xf32, #tpu.memory_space<vmem_shared>>
        tpu.enqueue_indirect_dma source(%arg9 : memref<80x32xf32, #tpu.memory_space<vmem>>) target(%dma_start3A_26 : memref<10240x32xf32, #tpu.memory_space<vmem_shared>>) offsets(%dma_start3A_23 : memref<80xi32, #tpu.memory_space<vmem>>) semaphore(%run_scoped3A : memref<!tpu.dma_semaphore, #tpu.memory_space<semaphore_mem>>) {add = true}
        %dma_wait3A = arith.constant 0 : i32
        %dma_wait3A_27 = tpu.memref_slice %arg8[%scan3A_21, %dma_wait3A] : memref<125x80xi32, #tpu.memory_space<vmem>> -> memref<1x80xi32, #tpu.memory_space<vmem>>
        %dma_wait3A_28 = tpu.memref_squeeze %dma_wait3A_27 : memref<1x80xi32, #tpu.memory_space<vmem>> -> memref<80xi32, #tpu.memory_space<vmem>>
        %dma_wait3A_29 = arith.constant 0 : i32
        %dma_wait3A_30 = arith.constant 0 : i32
        %dma_wait3A_31 = tpu.memref_slice %arg11[%dma_wait3A_29, %dma_wait3A_30] : memref<10240x32xf32, #tpu.memory_space<vmem_shared>> -> memref<10240x32xf32, #tpu.memory_space<vmem_shared>>
        tpu.wait_indirect_dma semaphore(%run_scoped3A : memref<!tpu.dma_semaphore, #tpu.memory_space<semaphore_mem>>) src(%arg9 : memref<80x32xf32, #tpu.memory_space<vmem>>) dst(%dma_wait3A_31 : memref<10240x32xf32, #tpu.memory_space<vmem_shared>>)
        tpu.yield
      }) : () -> ()
    }
    %scan3A_15 = arith.constant 125 : i32
    %barrier3A_16 = arith.constant 0 : index
    tpu.barrier barrier_id(%barrier3A_16)
    %mul3A_17 = arith.constant 640 : i32
    %mul3A_18 = arith.muli %arg1, %mul3A_17 : i32
    %mul3A_19 = arith.constant 640 : i32
    %mul3A_20 = arith.muli %arg1, %mul3A_19 : i32
    "tpu.region"() ({
      %run_scoped3A = tpu.sem_alloc : memref<!tpu.dma_semaphore, #tpu.memory_space<semaphore_mem>>
      %dma_start3A = arith.constant 0 : i32
      %dma_start3A_21 = tpu.memref_slice %arg6[%arg0, %mul3A_20, %dma_start3A] : memref<2x10240x32xf32, #tpu.memory_space<hbm>> -> memref<1x640x32xf32, #tpu.memory_space<hbm>>
      %dma_start3A_22 = tpu.memref_squeeze %dma_start3A_21 : memref<1x640x32xf32, #tpu.memory_space<hbm>> -> memref<640x32xf32, #tpu.memory_space<hbm>>
      %dma_start3A_23 = arith.constant 0 : i32
      %dma_start3A_24 = tpu.memref_slice %arg11[%mul3A_18, %dma_start3A_23] : memref<10240x32xf32, #tpu.memory_space<vmem_shared>> -> memref<640x32xf32, #tpu.memory_space<vmem_shared>>
      tpu.enqueue_dma source(%dma_start3A_24 : memref<640x32xf32, #tpu.memory_space<vmem_shared>>) target(%dma_start3A_22 : memref<640x32xf32, #tpu.memory_space<hbm>>) target_semaphore(%run_scoped3A : memref<!tpu.dma_semaphore, #tpu.memory_space<semaphore_mem>>)
      %dma_wait3A = arith.constant 0 : i32
      %dma_wait3A_25 = tpu.memref_slice %arg6[%arg0, %mul3A_20, %dma_wait3A] : memref<2x10240x32xf32, #tpu.memory_space<hbm>> -> memref<1x640x32xf32, #tpu.memory_space<hbm>>
      %dma_wait3A_26 = tpu.memref_squeeze %dma_wait3A_25 : memref<1x640x32xf32, #tpu.memory_space<hbm>> -> memref<640x32xf32, #tpu.memory_space<hbm>>
      %dma_wait3A_27 = arith.constant 0 : i32
      %dma_wait3A_28 = tpu.memref_slice %arg11[%mul3A_18, %dma_wait3A_27] : memref<10240x32xf32, #tpu.memory_space<vmem_shared>> -> memref<640x32xf32, #tpu.memory_space<vmem_shared>>
      tpu.wait_dma2 semaphore(%run_scoped3A : memref<!tpu.dma_semaphore, #tpu.memory_space<semaphore_mem>>) src(%dma_wait3A_28 : memref<640x32xf32, #tpu.memory_space<vmem_shared>>) dst(%dma_wait3A_26 : memref<640x32xf32, #tpu.memory_space<hbm>>)
      tpu.yield
    }) : () -> ()
    return
  }
}

#map = affine_map<(d0, d1) -> (0, 0)>
#map1 = affine_map<(d0, d1) -> (0, 0, 0)>
module attributes {stable_mosaic.version = 14 : i64} {
  func.func @_spmm_call(%arg0: i32, %arg1: i32, %arg2: memref<10000x32xf32, #tpu.memory_space<hbm>>, %arg3: memref<32x125x80xi32, #tpu.memory_space<hbm>>, %arg4: memref<32x125x80xi32, #tpu.memory_space<hbm>>, %arg5: memref<10240x32xf32, #tpu.memory_space<hbm>>, %arg6: memref<2x10240x32xf32, #tpu.memory_space<hbm>>, %arg7: memref<125x80xi32, #tpu.memory_space<vmem>>, %arg8: memref<125x80xi32, #tpu.memory_space<vmem>>, %arg9: memref<80x32xf32, #tpu.memory_space<vmem>>, %arg10: memref<10000x32xf32, #tpu.memory_space<vmem_shared>>, %arg11: memref<10240x32xf32, #tpu.memory_space<vmem_shared>>) attributes {dimension_semantics = [#tpu.dimension_semantics<core_parallel>, #tpu.dimension_semantics<subcore_parallel>], iteration_bounds = array<i64: 2, 16>, scalar_prefetch = 0 : i64, scratch_operands = 5 : i64, tpu.core_type = #tpu.core_type<sc_vector_subcore>, window_params = [{transform_indices = #map}, {transform_indices = #map1}, {transform_indices = #map1}, {transform_indices = #map}, {transform_indices = #map1}]} {
    %mul3A = arith.constant 2 : i32
    %mul3A_0 = arith.muli %arg1, %mul3A : i32
    %add3A = arith.addi %mul3A_0, %arg0 : i32
    %lt3A = arith.constant 15 : i32
    %lt3A_1 = arith.cmpi slt, %arg1, %lt3A : i32
    %convert_element_type3A = arith.extui %lt3A_1 : i1 to i32
    %cond3A = arith.constant 0 : i32
    %cond3A_2 = arith.cmpi ne, %convert_element_type3A, %cond3A : i32
    scf.if %cond3A_2 {
      %mul3A_21 = arith.constant 640 : i32
      %mul3A_22 = arith.muli %arg1, %mul3A_21 : i32
      %mul3A_23 = arith.constant 640 : i32
      %mul3A_24 = arith.muli %arg1, %mul3A_23 : i32
      "tpu.region"() ({
        %run_scoped3A = tpu.sem_alloc : memref<!tpu.dma_semaphore, #tpu.memory_space<semaphore_mem>>
        %dma_start3A = arith.constant 0 : i32
        %dma_start3A_25 = tpu.memref_slice %arg10[%mul3A_24, %dma_start3A] : memref<10000x32xf32, #tpu.memory_space<vmem_shared>> -> memref<640x32xf32, #tpu.memory_space<vmem_shared>>
        %dma_start3A_26 = arith.constant 0 : i32
        %dma_start3A_27 = tpu.memref_slice %arg2[%mul3A_22, %dma_start3A_26] : memref<10000x32xf32, #tpu.memory_space<hbm>> -> memref<640x32xf32, #tpu.memory_space<hbm>>
        tpu.enqueue_dma source(%dma_start3A_27 : memref<640x32xf32, #tpu.memory_space<hbm>>) target(%dma_start3A_25 : memref<640x32xf32, #tpu.memory_space<vmem_shared>>) target_semaphore(%run_scoped3A : memref<!tpu.dma_semaphore, #tpu.memory_space<semaphore_mem>>)
        %dma_wait3A = arith.constant 0 : i32
        %dma_wait3A_28 = tpu.memref_slice %arg10[%mul3A_24, %dma_wait3A] : memref<10000x32xf32, #tpu.memory_space<vmem_shared>> -> memref<640x32xf32, #tpu.memory_space<vmem_shared>>
        %dma_wait3A_29 = arith.constant 0 : i32
        %dma_wait3A_30 = tpu.memref_slice %arg2[%mul3A_22, %dma_wait3A_29] : memref<10000x32xf32, #tpu.memory_space<hbm>> -> memref<640x32xf32, #tpu.memory_space<hbm>>
        tpu.wait_dma2 semaphore(%run_scoped3A : memref<!tpu.dma_semaphore, #tpu.memory_space<semaphore_mem>>) src(%dma_wait3A_30 : memref<640x32xf32, #tpu.memory_space<hbm>>) dst(%dma_wait3A_28 : memref<640x32xf32, #tpu.memory_space<vmem_shared>>)
        tpu.yield
      }) : () -> ()
    } else {
    }
    %eq3A = arith.constant 15 : i32
    %eq3A_3 = arith.cmpi eq, %arg1, %eq3A : i32
    %convert_element_type3A_4 = arith.extui %eq3A_3 : i1 to i32
    %cond3A_5 = arith.constant 0 : i32
    %cond3A_6 = arith.cmpi ne, %convert_element_type3A_4, %cond3A_5 : i32
    scf.if %cond3A_6 {
      "tpu.region"() ({
        %run_scoped3A = tpu.sem_alloc : memref<!tpu.dma_semaphore, #tpu.memory_space<semaphore_mem>>
        %dma_start3A = arith.constant 9600 : i32
        %dma_start3A_21 = arith.constant 0 : i32
        %dma_start3A_22 = tpu.memref_slice %arg10[%dma_start3A, %dma_start3A_21] : memref<10000x32xf32, #tpu.memory_space<vmem_shared>> -> memref<400x32xf32, #tpu.memory_space<vmem_shared>>
        %dma_start3A_23 = arith.constant 9600 : i32
        %dma_start3A_24 = arith.constant 0 : i32
        %dma_start3A_25 = tpu.memref_slice %arg2[%dma_start3A_23, %dma_start3A_24] : memref<10000x32xf32, #tpu.memory_space<hbm>> -> memref<400x32xf32, #tpu.memory_space<hbm>>
        tpu.enqueue_dma source(%dma_start3A_25 : memref<400x32xf32, #tpu.memory_space<hbm>>) target(%dma_start3A_22 : memref<400x32xf32, #tpu.memory_space<vmem_shared>>) target_semaphore(%run_scoped3A : memref<!tpu.dma_semaphore, #tpu.memory_space<semaphore_mem>>)
        %dma_wait3A = arith.constant 9600 : i32
        %dma_wait3A_26 = arith.constant 0 : i32
        %dma_wait3A_27 = tpu.memref_slice %arg10[%dma_wait3A, %dma_wait3A_26] : memref<10000x32xf32, #tpu.memory_space<vmem_shared>> -> memref<400x32xf32, #tpu.memory_space<vmem_shared>>
        %dma_wait3A_28 = arith.constant 9600 : i32
        %dma_wait3A_29 = arith.constant 0 : i32
        %dma_wait3A_30 = tpu.memref_slice %arg2[%dma_wait3A_28, %dma_wait3A_29] : memref<10000x32xf32, #tpu.memory_space<hbm>> -> memref<400x32xf32, #tpu.memory_space<hbm>>
        tpu.wait_dma2 semaphore(%run_scoped3A : memref<!tpu.dma_semaphore, #tpu.memory_space<semaphore_mem>>) src(%dma_wait3A_30 : memref<400x32xf32, #tpu.memory_space<hbm>>) dst(%dma_wait3A_27 : memref<400x32xf32, #tpu.memory_space<vmem_shared>>)
        tpu.yield
      }) : () -> ()
    } else {
    }
    %mul3A_7 = arith.constant 640 : i32
    %mul3A_8 = arith.muli %arg1, %mul3A_7 : i32
    %mul3A_9 = arith.constant 640 : i32
    %mul3A_10 = arith.muli %arg1, %mul3A_9 : i32
    "tpu.region"() ({
      %run_scoped3A = tpu.sem_alloc : memref<!tpu.dma_semaphore, #tpu.memory_space<semaphore_mem>>
      %dma_start3A = arith.constant 0 : i32
      %dma_start3A_21 = tpu.memref_slice %arg11[%mul3A_10, %dma_start3A] : memref<10240x32xf32, #tpu.memory_space<vmem_shared>> -> memref<640x32xf32, #tpu.memory_space<vmem_shared>>
      %dma_start3A_22 = arith.constant 0 : i32
      %dma_start3A_23 = tpu.memref_slice %arg5[%mul3A_8, %dma_start3A_22] : memref<10240x32xf32, #tpu.memory_space<hbm>> -> memref<640x32xf32, #tpu.memory_space<hbm>>
      tpu.enqueue_dma source(%dma_start3A_23 : memref<640x32xf32, #tpu.memory_space<hbm>>) target(%dma_start3A_21 : memref<640x32xf32, #tpu.memory_space<vmem_shared>>) target_semaphore(%run_scoped3A : memref<!tpu.dma_semaphore, #tpu.memory_space<semaphore_mem>>)
      %dma_wait3A = arith.constant 0 : i32
      %dma_wait3A_24 = tpu.memref_slice %arg11[%mul3A_10, %dma_wait3A] : memref<10240x32xf32, #tpu.memory_space<vmem_shared>> -> memref<640x32xf32, #tpu.memory_space<vmem_shared>>
      %dma_wait3A_25 = arith.constant 0 : i32
      %dma_wait3A_26 = tpu.memref_slice %arg5[%mul3A_8, %dma_wait3A_25] : memref<10240x32xf32, #tpu.memory_space<hbm>> -> memref<640x32xf32, #tpu.memory_space<hbm>>
      tpu.wait_dma2 semaphore(%run_scoped3A : memref<!tpu.dma_semaphore, #tpu.memory_space<semaphore_mem>>) src(%dma_wait3A_26 : memref<640x32xf32, #tpu.memory_space<hbm>>) dst(%dma_wait3A_24 : memref<640x32xf32, #tpu.memory_space<vmem_shared>>)
      tpu.yield
    }) : () -> ()
    "tpu.region"() ({
      %run_scoped3A = tpu.sem_alloc : memref<!tpu.dma_semaphore, #tpu.memory_space<semaphore_mem>>
      %dma_start3A = arith.constant 0 : i32
      %dma_start3A_21 = arith.constant 0 : i32
      %dma_start3A_22 = tpu.memref_slice %arg3[%add3A, %dma_start3A, %dma_start3A_21] : memref<32x125x80xi32, #tpu.memory_space<hbm>> -> memref<1x125x80xi32, #tpu.memory_space<hbm>>
      %dma_start3A_23 = tpu.memref_squeeze %dma_start3A_22 : memref<1x125x80xi32, #tpu.memory_space<hbm>> -> memref<125x80xi32, #tpu.memory_space<hbm>>
      %dma_start3A_24 = arith.constant 0 : i32
      %dma_start3A_25 = arith.constant 0 : i32
      %dma_start3A_26 = tpu.memref_slice %arg3[%add3A, %dma_start3A_24, %dma_start3A_25] : memref<32x125x80xi32, #tpu.memory_space<hbm>> -> memref<1x125x80xi32, #tpu.memory_space<hbm>>
      %dma_start3A_27 = tpu.memref_squeeze %dma_start3A_26 : memref<1x125x80xi32, #tpu.memory_space<hbm>> -> memref<125x80xi32, #tpu.memory_space<hbm>>
      tpu.enqueue_dma source(%dma_start3A_27 : memref<125x80xi32, #tpu.memory_space<hbm>>) target(%arg7 : memref<125x80xi32, #tpu.memory_space<vmem>>) target_semaphore(%run_scoped3A : memref<!tpu.dma_semaphore, #tpu.memory_space<semaphore_mem>>)
      %dma_wait3A = arith.constant 0 : i32
      %dma_wait3A_28 = arith.constant 0 : i32
      %dma_wait3A_29 = tpu.memref_slice %arg3[%add3A, %dma_wait3A, %dma_wait3A_28] : memref<32x125x80xi32, #tpu.memory_space<hbm>> -> memref<1x125x80xi32, #tpu.memory_space<hbm>>
      %dma_wait3A_30 = tpu.memref_squeeze %dma_wait3A_29 : memref<1x125x80xi32, #tpu.memory_space<hbm>> -> memref<125x80xi32, #tpu.memory_space<hbm>>
      %dma_wait3A_31 = arith.constant 0 : i32
      %dma_wait3A_32 = arith.constant 0 : i32
      %dma_wait3A_33 = tpu.memref_slice %arg3[%add3A, %dma_wait3A_31, %dma_wait3A_32] : memref<32x125x80xi32, #tpu.memory_space<hbm>> -> memref<1x125x80xi32, #tpu.memory_space<hbm>>
      %dma_wait3A_34 = tpu.memref_squeeze %dma_wait3A_33 : memref<1x125x80xi32, #tpu.memory_space<hbm>> -> memref<125x80xi32, #tpu.memory_space<hbm>>
      tpu.wait_dma2 semaphore(%run_scoped3A : memref<!tpu.dma_semaphore, #tpu.memory_space<semaphore_mem>>) src(%dma_wait3A_34 : memref<125x80xi32, #tpu.memory_space<hbm>>) dst(%arg7 : memref<125x80xi32, #tpu.memory_space<vmem>>)
      tpu.yield
    }) : () -> ()
    "tpu.region"() ({
      %run_scoped3A = tpu.sem_alloc : memref<!tpu.dma_semaphore, #tpu.memory_space<semaphore_mem>>
      %dma_start3A = arith.constant 0 : i32
      %dma_start3A_21 = arith.constant 0 : i32
      %dma_start3A_22 = tpu.memref_slice %arg4[%add3A, %dma_start3A, %dma_start3A_21] : memref<32x125x80xi32, #tpu.memory_space<hbm>> -> memref<1x125x80xi32, #tpu.memory_space<hbm>>
      %dma_start3A_23 = tpu.memref_squeeze %dma_start3A_22 : memref<1x125x80xi32, #tpu.memory_space<hbm>> -> memref<125x80xi32, #tpu.memory_space<hbm>>
      %dma_start3A_24 = arith.constant 0 : i32
      %dma_start3A_25 = arith.constant 0 : i32
      %dma_start3A_26 = tpu.memref_slice %arg4[%add3A, %dma_start3A_24, %dma_start3A_25] : memref<32x125x80xi32, #tpu.memory_space<hbm>> -> memref<1x125x80xi32, #tpu.memory_space<hbm>>
      %dma_start3A_27 = tpu.memref_squeeze %dma_start3A_26 : memref<1x125x80xi32, #tpu.memory_space<hbm>> -> memref<125x80xi32, #tpu.memory_space<hbm>>
      tpu.enqueue_dma source(%dma_start3A_27 : memref<125x80xi32, #tpu.memory_space<hbm>>) target(%arg8 : memref<125x80xi32, #tpu.memory_space<vmem>>) target_semaphore(%run_scoped3A : memref<!tpu.dma_semaphore, #tpu.memory_space<semaphore_mem>>)
      %dma_wait3A = arith.constant 0 : i32
      %dma_wait3A_28 = arith.constant 0 : i32
      %dma_wait3A_29 = tpu.memref_slice %arg4[%add3A, %dma_wait3A, %dma_wait3A_28] : memref<32x125x80xi32, #tpu.memory_space<hbm>> -> memref<1x125x80xi32, #tpu.memory_space<hbm>>
      %dma_wait3A_30 = tpu.memref_squeeze %dma_wait3A_29 : memref<1x125x80xi32, #tpu.memory_space<hbm>> -> memref<125x80xi32, #tpu.memory_space<hbm>>
      %dma_wait3A_31 = arith.constant 0 : i32
      %dma_wait3A_32 = arith.constant 0 : i32
      %dma_wait3A_33 = tpu.memref_slice %arg4[%add3A, %dma_wait3A_31, %dma_wait3A_32] : memref<32x125x80xi32, #tpu.memory_space<hbm>> -> memref<1x125x80xi32, #tpu.memory_space<hbm>>
      %dma_wait3A_34 = tpu.memref_squeeze %dma_wait3A_33 : memref<1x125x80xi32, #tpu.memory_space<hbm>> -> memref<125x80xi32, #tpu.memory_space<hbm>>
      tpu.wait_dma2 semaphore(%run_scoped3A : memref<!tpu.dma_semaphore, #tpu.memory_space<semaphore_mem>>) src(%dma_wait3A_34 : memref<125x80xi32, #tpu.memory_space<hbm>>) dst(%arg8 : memref<125x80xi32, #tpu.memory_space<vmem>>)
      tpu.yield
    }) : () -> ()
    %barrier3A = arith.constant 0 : index
    tpu.barrier barrier_id(%barrier3A)
    %scan3A = arith.constant 0 : i32
    %scan3A_11 = arith.constant 0 : i32
    %scan3A_12 = arith.constant 125 : i32
    %scan3A_13 = arith.addi %scan3A_11, %scan3A_12 : i32
    %scan3A_14 = arith.constant 1 : i32
    scf.for %scan3A_21 = %scan3A_11 to %scan3A_13 step %scan3A_14  : i32 {
      "tpu.region"() ({
        %run_scoped3A = tpu.sem_alloc : memref<!tpu.dma_semaphore, #tpu.memory_space<semaphore_mem>>
        %dma_start3A = arith.constant 0 : i32
        %dma_start3A_22 = tpu.memref_slice %arg7[%scan3A_21, %dma_start3A] : memref<125x80xi32, #tpu.memory_space<vmem>> -> memref<1x80xi32, #tpu.memory_space<vmem>>
        %dma_start3A_23 = tpu.memref_squeeze %dma_start3A_22 : memref<1x80xi32, #tpu.memory_space<vmem>> -> memref<80xi32, #tpu.memory_space<vmem>>
        %dma_start3A_24 = arith.constant 0 : i32
        %dma_start3A_25 = arith.constant 0 : i32
        %dma_start3A_26 = tpu.memref_slice %arg10[%dma_start3A_24, %dma_start3A_25] : memref<10000x32xf32, #tpu.memory_space<vmem_shared>> -> memref<10000x32xf32, #tpu.memory_space<vmem_shared>>
        tpu.enqueue_indirect_dma source(%dma_start3A_26 : memref<10000x32xf32, #tpu.memory_space<vmem_shared>>) target(%arg9 : memref<80x32xf32, #tpu.memory_space<vmem>>) offsets(%dma_start3A_23 : memref<80xi32, #tpu.memory_space<vmem>>) semaphore(%run_scoped3A : memref<!tpu.dma_semaphore, #tpu.memory_space<semaphore_mem>>)
        %dma_wait3A = arith.constant 0 : i32
        %dma_wait3A_27 = tpu.memref_slice %arg7[%scan3A_21, %dma_wait3A] : memref<125x80xi32, #tpu.memory_space<vmem>> -> memref<1x80xi32, #tpu.memory_space<vmem>>
        %dma_wait3A_28 = tpu.memref_squeeze %dma_wait3A_27 : memref<1x80xi32, #tpu.memory_space<vmem>> -> memref<80xi32, #tpu.memory_space<vmem>>
        %dma_wait3A_29 = arith.constant 0 : i32
        %dma_wait3A_30 = arith.constant 0 : i32
        %dma_wait3A_31 = tpu.memref_slice %arg10[%dma_wait3A_29, %dma_wait3A_30] : memref<10000x32xf32, #tpu.memory_space<vmem_shared>> -> memref<10000x32xf32, #tpu.memory_space<vmem_shared>>
        tpu.wait_indirect_dma semaphore(%run_scoped3A : memref<!tpu.dma_semaphore, #tpu.memory_space<semaphore_mem>>) src(%dma_wait3A_31 : memref<10000x32xf32, #tpu.memory_space<vmem_shared>>) dst(%arg9 : memref<80x32xf32, #tpu.memory_space<vmem>>)
        tpu.yield
      }) : () -> ()
      "tpu.region"() ({
        %run_scoped3A = tpu.sem_alloc : memref<!tpu.dma_semaphore, #tpu.memory_space<semaphore_mem>>
        %dma_start3A = arith.constant 0 : i32
        %dma_start3A_22 = tpu.memref_slice %arg8[%scan3A_21, %dma_start3A] : memref<125x80xi32, #tpu.memory_space<vmem>> -> memref<1x80xi32, #tpu.memory_space<vmem>>
        %dma_start3A_23 = tpu.memref_squeeze %dma_start3A_22 : memref<1x80xi32, #tpu.memory_space<vmem>> -> memref<80xi32, #tpu.memory_space<vmem>>
        %dma_start3A_24 = arith.constant 0 : i32
        %dma_start3A_25 = arith.constant 0 : i32
        %dma_start3A_26 = tpu.memref_slice %arg11[%dma_start3A_24, %dma_start3A_25] : memref<10240x32xf32, #tpu.memory_space<vmem_shared>> -> memref<10240x32xf32, #tpu.memory_space<vmem_shared>>
        tpu.enqueue_indirect_dma source(%arg9 : memref<80x32xf32, #tpu.memory_space<vmem>>) target(%dma_start3A_26 : memref<10240x32xf32, #tpu.memory_space<vmem_shared>>) offsets(%dma_start3A_23 : memref<80xi32, #tpu.memory_space<vmem>>) semaphore(%run_scoped3A : memref<!tpu.dma_semaphore, #tpu.memory_space<semaphore_mem>>) {add = true}
        %dma_wait3A = arith.constant 0 : i32
        %dma_wait3A_27 = tpu.memref_slice %arg8[%scan3A_21, %dma_wait3A] : memref<125x80xi32, #tpu.memory_space<vmem>> -> memref<1x80xi32, #tpu.memory_space<vmem>>
        %dma_wait3A_28 = tpu.memref_squeeze %dma_wait3A_27 : memref<1x80xi32, #tpu.memory_space<vmem>> -> memref<80xi32, #tpu.memory_space<vmem>>
        %dma_wait3A_29 = arith.constant 0 : i32
        %dma_wait3A_30 = arith.constant 0 : i32
        %dma_wait3A_31 = tpu.memref_slice %arg11[%dma_wait3A_29, %dma_wait3A_30] : memref<10240x32xf32, #tpu.memory_space<vmem_shared>> -> memref<10240x32xf32, #tpu.memory_space<vmem_shared>>
        tpu.wait_indirect_dma semaphore(%run_scoped3A : memref<!tpu.dma_semaphore, #tpu.memory_space<semaphore_mem>>) src(%arg9 : memref<80x32xf32, #tpu.memory_space<vmem>>) dst(%dma_wait3A_31 : memref<10240x32xf32, #tpu.memory_space<vmem_shared>>)
        tpu.yield
      }) : () -> ()
    }
    %scan3A_15 = arith.constant 125 : i32
    %barrier3A_16 = arith.constant 0 : index
    tpu.barrier barrier_id(%barrier3A_16)
    %mul3A_17 = arith.constant 640 : i32
    %mul3A_18 = arith.muli %arg1, %mul3A_17 : i32
    %mul3A_19 = arith.constant 640 : i32
    %mul3A_20 = arith.muli %arg1, %mul3A_19 : i32
    "tpu.region"() ({
      %run_scoped3A = tpu.sem_alloc : memref<!tpu.dma_semaphore, #tpu.memory_space<semaphore_mem>>
      %dma_start3A = arith.constant 0 : i32
      %dma_start3A_21 = tpu.memref_slice %arg6[%arg0, %mul3A_20, %dma_start3A] : memref<2x10240x32xf32, #tpu.memory_space<hbm>> -> memref<1x640x32xf32, #tpu.memory_space<hbm>>
      %dma_start3A_22 = tpu.memref_squeeze %dma_start3A_21 : memref<1x640x32xf32, #tpu.memory_space<hbm>> -> memref<640x32xf32, #tpu.memory_space<hbm>>
      %dma_start3A_23 = arith.constant 0 : i32
      %dma_start3A_24 = tpu.memref_slice %arg11[%mul3A_18, %dma_start3A_23] : memref<10240x32xf32, #tpu.memory_space<vmem_shared>> -> memref<640x32xf32, #tpu.memory_space<vmem_shared>>
      tpu.enqueue_dma source(%dma_start3A_24 : memref<640x32xf32, #tpu.memory_space<vmem_shared>>) target(%dma_start3A_22 : memref<640x32xf32, #tpu.memory_space<hbm>>) target_semaphore(%run_scoped3A : memref<!tpu.dma_semaphore, #tpu.memory_space<semaphore_mem>>)
      %dma_wait3A = arith.constant 0 : i32
      %dma_wait3A_25 = tpu.memref_slice %arg6[%arg0, %mul3A_20, %dma_wait3A] : memref<2x10240x32xf32, #tpu.memory_space<hbm>> -> memref<1x640x32xf32, #tpu.memory_space<hbm>>
      %dma_wait3A_26 = tpu.memref_squeeze %dma_wait3A_25 : memref<1x640x32xf32, #tpu.memory_space<hbm>> -> memref<640x32xf32, #tpu.memory_space<hbm>>
      %dma_wait3A_27 = arith.constant 0 : i32
      %dma_wait3A_28 = tpu.memref_slice %arg11[%mul3A_18, %dma_wait3A_27] : memref<10240x32xf32, #tpu.memory_space<vmem_shared>> -> memref<640x32xf32, #tpu.memory_space<vmem_shared>>
      tpu.wait_dma2 semaphore(%run_scoped3A : memref<!tpu.dma_semaphore, #tpu.memory_space<semaphore_mem>>) src(%dma_wait3A_28 : memref<640x32xf32, #tpu.memory_space<vmem_shared>>) dst(%dma_wait3A_26 : memref<640x32xf32, #tpu.memory_space<hbm>>)
      tpu.yield
    }) : () -> ()
    return
  }
}

module attributes {stable_mosaic.version = 14 : i64} {
  func.func @_tc1_body(%arg0: i32, %arg1: memref<2x1000x16xf32, #tpu.memory_space<vmem>>, %arg2: memref<1000x128xf32, #tpu.memory_space<vmem>>, %arg3: memref<128x32xf32, #tpu.memory_space<vmem>>, %arg4: memref<1000x32xf32, #tpu.memory_space<vmem>>) attributes {dimension_semantics = [#tpu.dimension_semantics<arbitrary>], iteration_bounds = array<i64: 10>, scalar_prefetch = 0 : i64, scratch_operands = 0 : i64, tpu.core_type = #tpu.core_type<tc>, window_params = [{transform_indices = @transform_0, window_bounds = array<i64: 2, 1000, 16>}, {transform_indices = @transform_1, window_bounds = array<i64: 1000, 128>}, {pipeline_mode = #tpu.pipeline_mode<synchronous>, transform_indices = @transform_2, window_bounds = array<i64: 128, 32>}, {transform_indices = @transform_3, window_bounds = array<i64: 1000, 32>}]} {
    %get3A = arith.constant 0 : index
    %get3A_0 = arith.constant 0 : index
    %get3A_1 = arith.constant 0 : index
    %get3A_2 = vector.load %arg1[%get3A, %get3A_0, %get3A_1] : memref<2x1000x16xf32, #tpu.memory_space<vmem>>, vector<2x1000x16xf32>
    %slice3A = vector.extract_strided_slice %get3A_2 {offsets = [0, 0, 0], sizes = [1, 1000, 1], strides = [1, 1, 1]} : vector<2x1000x16xf32> to vector<1x1000x1xf32>
    %squeeze3A = vector.shape_cast %slice3A : vector<1x1000x1xf32> to vector<1000x1xf32>
    %slice3A_3 = vector.extract_strided_slice %get3A_2 {offsets = [1, 0, 0], sizes = [1, 1000, 1], strides = [1, 1, 1]} : vector<2x1000x16xf32> to vector<1x1000x1xf32>
    %squeeze3A_4 = vector.shape_cast %slice3A_3 : vector<1x1000x1xf32> to vector<1000x1xf32>
    %add3A = arith.addf %squeeze3A, %squeeze3A_4 : vector<1000x1xf32>
    %add3A_5 = arith.constant 1.000000e+00 : f32
    %add3A_6 = vector.broadcast %add3A_5 : f32 to vector<1000x1xf32>
    %add3A_7 = arith.addf %add3A, %add3A_6 : vector<1000x1xf32>
    %rsqrt3A = math.rsqrt %add3A_7 : vector<1000x1xf32>
    %get3A_8 = arith.constant 0 : index
    %get3A_9 = arith.constant 0 : index
    %get3A_10 = vector.load %arg2[%get3A_8, %get3A_9] : memref<1000x128xf32, #tpu.memory_space<vmem>>, vector<1000x128xf32>
    %get3A_11 = arith.constant 0 : index
    %get3A_12 = arith.constant 0 : index
    %get3A_13 = vector.load %arg3[%get3A_11, %get3A_12] : memref<128x32xf32, #tpu.memory_space<vmem>>, vector<128x32xf32>
    %dot_general3A = arith.constant dense<0.000000e+00> : vector<1000x32xf32>
    %dot_general3A_14 = tpu.matmul %get3A_10, %get3A_13, %dot_general3A {dimension_numbers = #tpu.dot_dimension_numbers<[1], [0], [0], [1], [0, 0, 1, 1], [], []>, transpose_lhs_hint = false} : vector<1000x128xf32>, vector<128x32xf32>, vector<1000x32xf32> -> vector<1000x32xf32>
    %mul3A = vector.broadcast %rsqrt3A : vector<1000x1xf32> to vector<1000x32xf32>
    %mul3A_15 = arith.mulf %dot_general3A_14, %mul3A : vector<1000x32xf32>
    %swap3A = arith.constant 0 : index
    %swap3A_16 = arith.constant 0 : index
    %swap3A_17 = vector.load %arg4[%swap3A, %swap3A_16] : memref<1000x32xf32, #tpu.memory_space<vmem>>, vector<1000x32xf32>
    tpu.vector_store %arg4[%swap3A, %swap3A_16], %mul3A_15 {strides = array<i32>} : memref<1000x32xf32, #tpu.memory_space<vmem>>, vector<1000x32xf32>,
    return
  }
  func.func @transform_0(%arg0: i32) -> (i32, i32, i32) {
    %c0_i32 = arith.constant 0 : i32
    %c0_i32_0 = arith.constant 0 : i32
    %c0_i32_1 = arith.constant 0 : i32
    return %c0_i32, %arg0, %c0_i32_0 : i32, i32, i32
  }
  func.func @transform_1(%arg0: i32) -> (i32, i32) {
    %c0_i32 = arith.constant 0 : i32
    %c0_i32_0 = arith.constant 0 : i32
    return %arg0, %c0_i32 : i32, i32
  }
  func.func @transform_2(%arg0: i32) -> (i32, i32) {
    %c0_i32 = arith.constant 0 : i32
    %c0_i32_0 = arith.constant 0 : i32
    %c0_i32_1 = arith.constant 0 : i32
    return %c0_i32, %c0_i32_0 : i32, i32
  }
  func.func @transform_3(%arg0: i32) -> (i32, i32) {
    %c0_i32 = arith.constant 0 : i32
    %c0_i32_0 = arith.constant 0 : i32
    return %arg0, %c0_i32 : i32, i32
  }
}

module attributes {stable_mosaic.version = 14 : i64} {
  func.func @_tc_mid_body(%arg0: i32, %arg1: memref<2x1000x32xf32, #tpu.memory_space<vmem>>, %arg2: memref<1000x32xf32, #tpu.memory_space<vmem>>, %arg3: memref<2x1000x16xf32, #tpu.memory_space<vmem>>, %arg4: memref<1x32xf32, #tpu.memory_space<vmem>>, %arg5: memref<32x32xf32, #tpu.memory_space<vmem>>, %arg6: memref<1000x32xf32, #tpu.memory_space<vmem>>) attributes {dimension_semantics = [#tpu.dimension_semantics<arbitrary>], iteration_bounds = array<i64: 10>, scalar_prefetch = 0 : i64, scratch_operands = 0 : i64, tpu.core_type = #tpu.core_type<tc>, window_params = [{transform_indices = @transform_0, window_bounds = array<i64: 2, 1000, 32>}, {transform_indices = @transform_1, window_bounds = array<i64: 1000, 32>}, {transform_indices = @transform_2, window_bounds = array<i64: 2, 1000, 16>}, {pipeline_mode = #tpu.pipeline_mode<synchronous>, transform_indices = @transform_3, window_bounds = array<i64: 1, 32>}, {pipeline_mode = #tpu.pipeline_mode<synchronous>, transform_indices = @transform_4, window_bounds = array<i64: 32, 32>}, {transform_indices = @transform_5, window_bounds = array<i64: 1000, 32>}]} {
    %get3A = arith.constant 0 : index
    %get3A_0 = arith.constant 0 : index
    %get3A_1 = arith.constant 0 : index
    %get3A_2 = vector.load %arg3[%get3A, %get3A_0, %get3A_1] : memref<2x1000x16xf32, #tpu.memory_space<vmem>>, vector<2x1000x16xf32>
    %slice3A = vector.extract_strided_slice %get3A_2 {offsets = [0, 0, 0], sizes = [1, 1000, 1], strides = [1, 1, 1]} : vector<2x1000x16xf32> to vector<1x1000x1xf32>
    %squeeze3A = vector.shape_cast %slice3A : vector<1x1000x1xf32> to vector<1000x1xf32>
    %slice3A_3 = vector.extract_strided_slice %get3A_2 {offsets = [1, 0, 0], sizes = [1, 1000, 1], strides = [1, 1, 1]} : vector<2x1000x16xf32> to vector<1x1000x1xf32>
    %squeeze3A_4 = vector.shape_cast %slice3A_3 : vector<1x1000x1xf32> to vector<1000x1xf32>
    %add3A = arith.addf %squeeze3A, %squeeze3A_4 : vector<1000x1xf32>
    %add3A_5 = arith.constant 1.000000e+00 : f32
    %add3A_6 = vector.broadcast %add3A_5 : f32 to vector<1000x1xf32>
    %add3A_7 = arith.addf %add3A, %add3A_6 : vector<1000x1xf32>
    %rsqrt3A = math.rsqrt %add3A_7 : vector<1000x1xf32>
    %get3A_8 = arith.constant 0 : index
    %get3A_9 = arith.constant 0 : index
    %get3A_10 = arith.constant 0 : index
    %get3A_11 = vector.load %arg1[%get3A_8, %get3A_9, %get3A_10] : memref<2x1000x32xf32, #tpu.memory_space<vmem>>, vector<2x1000x32xf32>
    %slice3A_12 = vector.extract_strided_slice %get3A_11 {offsets = [0, 0, 0], sizes = [1, 1000, 32], strides = [1, 1, 1]} : vector<2x1000x32xf32> to vector<1x1000x32xf32>
    %squeeze3A_13 = vector.shape_cast %slice3A_12 : vector<1x1000x32xf32> to vector<1000x32xf32>
    %slice3A_14 = vector.extract_strided_slice %get3A_11 {offsets = [1, 0, 0], sizes = [1, 1000, 32], strides = [1, 1, 1]} : vector<2x1000x32xf32> to vector<1x1000x32xf32>
    %squeeze3A_15 = vector.shape_cast %slice3A_14 : vector<1x1000x32xf32> to vector<1000x32xf32>
    %add3A_16 = arith.addf %squeeze3A_13, %squeeze3A_15 : vector<1000x32xf32>
    %get3A_17 = arith.constant 0 : index
    %get3A_18 = arith.constant 0 : index
    %get3A_19 = vector.load %arg2[%get3A_17, %get3A_18] : memref<1000x32xf32, #tpu.memory_space<vmem>>, vector<1000x32xf32>
    %add3A_20 = arith.addf %add3A_16, %get3A_19 : vector<1000x32xf32>
    %mul3A = vector.broadcast %rsqrt3A : vector<1000x1xf32> to vector<1000x32xf32>
    %mul3A_21 = arith.mulf %add3A_20, %mul3A : vector<1000x32xf32>
    %get3A_22 = arith.constant 0 : index
    %get3A_23 = arith.constant 0 : index
    %get3A_24 = vector.load %arg4[%get3A_22, %get3A_23] : memref<1x32xf32, #tpu.memory_space<vmem>>, vector<1x32xf32>
    %add3A_25 = vector.broadcast %get3A_24 : vector<1x32xf32> to vector<1000x32xf32>
    %add3A_26 = arith.addf %mul3A_21, %add3A_25 : vector<1000x32xf32>
    %get3A_27 = arith.constant 0 : index
    %get3A_28 = arith.constant 0 : index
    %get3A_29 = vector.load %arg5[%get3A_27, %get3A_28] : memref<32x32xf32, #tpu.memory_space<vmem>>, vector<32x32xf32>
    %dot_general3A = arith.constant dense<0.000000e+00> : vector<1000x32xf32>
    %dot_general3A_30 = tpu.matmul %add3A_26, %get3A_29, %dot_general3A {dimension_numbers = #tpu.dot_dimension_numbers<[1], [0], [0], [1], [0, 0, 1, 1], [], []>, transpose_lhs_hint = false} : vector<1000x32xf32>, vector<32x32xf32>, vector<1000x32xf32> -> vector<1000x32xf32>
    %mul3A_31 = vector.broadcast %rsqrt3A : vector<1000x1xf32> to vector<1000x32xf32>
    %mul3A_32 = arith.mulf %dot_general3A_30, %mul3A_31 : vector<1000x32xf32>
    %swap3A = arith.constant 0 : index
    %swap3A_33 = arith.constant 0 : index
    %swap3A_34 = vector.load %arg6[%swap3A, %swap3A_33] : memref<1000x32xf32, #tpu.memory_space<vmem>>, vector<1000x32xf32>
    tpu.vector_store %arg6[%swap3A, %swap3A_33], %mul3A_32 {strides = array<i32>} : memref<1000x32xf32, #tpu.memory_space<vmem>>, vector<1000x32xf32>,
    return
  }
  func.func @transform_0(%arg0: i32) -> (i32, i32, i32) {
    %c0_i32 = arith.constant 0 : i32
    %c0_i32_0 = arith.constant 0 : i32
    %c0_i32_1 = arith.constant 0 : i32
    return %c0_i32, %arg0, %c0_i32_0 : i32, i32, i32
  }
  func.func @transform_1(%arg0: i32) -> (i32, i32) {
    %c0_i32 = arith.constant 0 : i32
    %c0_i32_0 = arith.constant 0 : i32
    return %arg0, %c0_i32 : i32, i32
  }
  func.func @transform_2(%arg0: i32) -> (i32, i32, i32) {
    %c0_i32 = arith.constant 0 : i32
    %c0_i32_0 = arith.constant 0 : i32
    %c0_i32_1 = arith.constant 0 : i32
    return %c0_i32, %arg0, %c0_i32_0 : i32, i32, i32
  }
  func.func @transform_3(%arg0: i32) -> (i32, i32) {
    %c0_i32 = arith.constant 0 : i32
    %c0_i32_0 = arith.constant 0 : i32
    %c0_i32_1 = arith.constant 0 : i32
    return %c0_i32, %c0_i32_0 : i32, i32
  }
  func.func @transform_4(%arg0: i32) -> (i32, i32) {
    %c0_i32 = arith.constant 0 : i32
    %c0_i32_0 = arith.constant 0 : i32
    %c0_i32_1 = arith.constant 0 : i32
    return %c0_i32, %c0_i32_0 : i32, i32
  }
  func.func @transform_5(%arg0: i32) -> (i32, i32) {
    %c0_i32 = arith.constant 0 : i32
    %c0_i32_0 = arith.constant 0 : i32
    return %arg0, %c0_i32 : i32, i32
  }
}

module attributes {stable_mosaic.version = 14 : i64} {
  func.func @_tc_mid_body(%arg0: i32, %arg1: memref<2x1000x32xf32, #tpu.memory_space<vmem>>, %arg2: memref<1000x32xf32, #tpu.memory_space<vmem>>, %arg3: memref<2x1000x16xf32, #tpu.memory_space<vmem>>, %arg4: memref<1x32xf32, #tpu.memory_space<vmem>>, %arg5: memref<32x32xf32, #tpu.memory_space<vmem>>, %arg6: memref<1000x32xf32, #tpu.memory_space<vmem>>) attributes {dimension_semantics = [#tpu.dimension_semantics<arbitrary>], iteration_bounds = array<i64: 10>, scalar_prefetch = 0 : i64, scratch_operands = 0 : i64, tpu.core_type = #tpu.core_type<tc>, window_params = [{transform_indices = @transform_0, window_bounds = array<i64: 2, 1000, 32>}, {transform_indices = @transform_1, window_bounds = array<i64: 1000, 32>}, {transform_indices = @transform_2, window_bounds = array<i64: 2, 1000, 16>}, {pipeline_mode = #tpu.pipeline_mode<synchronous>, transform_indices = @transform_3, window_bounds = array<i64: 1, 32>}, {pipeline_mode = #tpu.pipeline_mode<synchronous>, transform_indices = @transform_4, window_bounds = array<i64: 32, 32>}, {transform_indices = @transform_5, window_bounds = array<i64: 1000, 32>}]} {
    %get3A = arith.constant 0 : index
    %get3A_0 = arith.constant 0 : index
    %get3A_1 = arith.constant 0 : index
    %get3A_2 = vector.load %arg3[%get3A, %get3A_0, %get3A_1] : memref<2x1000x16xf32, #tpu.memory_space<vmem>>, vector<2x1000x16xf32>
    %slice3A = vector.extract_strided_slice %get3A_2 {offsets = [0, 0, 0], sizes = [1, 1000, 1], strides = [1, 1, 1]} : vector<2x1000x16xf32> to vector<1x1000x1xf32>
    %squeeze3A = vector.shape_cast %slice3A : vector<1x1000x1xf32> to vector<1000x1xf32>
    %slice3A_3 = vector.extract_strided_slice %get3A_2 {offsets = [1, 0, 0], sizes = [1, 1000, 1], strides = [1, 1, 1]} : vector<2x1000x16xf32> to vector<1x1000x1xf32>
    %squeeze3A_4 = vector.shape_cast %slice3A_3 : vector<1x1000x1xf32> to vector<1000x1xf32>
    %add3A = arith.addf %squeeze3A, %squeeze3A_4 : vector<1000x1xf32>
    %add3A_5 = arith.constant 1.000000e+00 : f32
    %add3A_6 = vector.broadcast %add3A_5 : f32 to vector<1000x1xf32>
    %add3A_7 = arith.addf %add3A, %add3A_6 : vector<1000x1xf32>
    %rsqrt3A = math.rsqrt %add3A_7 : vector<1000x1xf32>
    %get3A_8 = arith.constant 0 : index
    %get3A_9 = arith.constant 0 : index
    %get3A_10 = arith.constant 0 : index
    %get3A_11 = vector.load %arg1[%get3A_8, %get3A_9, %get3A_10] : memref<2x1000x32xf32, #tpu.memory_space<vmem>>, vector<2x1000x32xf32>
    %slice3A_12 = vector.extract_strided_slice %get3A_11 {offsets = [0, 0, 0], sizes = [1, 1000, 32], strides = [1, 1, 1]} : vector<2x1000x32xf32> to vector<1x1000x32xf32>
    %squeeze3A_13 = vector.shape_cast %slice3A_12 : vector<1x1000x32xf32> to vector<1000x32xf32>
    %slice3A_14 = vector.extract_strided_slice %get3A_11 {offsets = [1, 0, 0], sizes = [1, 1000, 32], strides = [1, 1, 1]} : vector<2x1000x32xf32> to vector<1x1000x32xf32>
    %squeeze3A_15 = vector.shape_cast %slice3A_14 : vector<1x1000x32xf32> to vector<1000x32xf32>
    %add3A_16 = arith.addf %squeeze3A_13, %squeeze3A_15 : vector<1000x32xf32>
    %get3A_17 = arith.constant 0 : index
    %get3A_18 = arith.constant 0 : index
    %get3A_19 = vector.load %arg2[%get3A_17, %get3A_18] : memref<1000x32xf32, #tpu.memory_space<vmem>>, vector<1000x32xf32>
    %add3A_20 = arith.addf %add3A_16, %get3A_19 : vector<1000x32xf32>
    %mul3A = vector.broadcast %rsqrt3A : vector<1000x1xf32> to vector<1000x32xf32>
    %mul3A_21 = arith.mulf %add3A_20, %mul3A : vector<1000x32xf32>
    %get3A_22 = arith.constant 0 : index
    %get3A_23 = arith.constant 0 : index
    %get3A_24 = vector.load %arg4[%get3A_22, %get3A_23] : memref<1x32xf32, #tpu.memory_space<vmem>>, vector<1x32xf32>
    %add3A_25 = vector.broadcast %get3A_24 : vector<1x32xf32> to vector<1000x32xf32>
    %add3A_26 = arith.addf %mul3A_21, %add3A_25 : vector<1000x32xf32>
    %max3A = arith.constant 0.000000e+00 : f32
    %max3A_27 = vector.broadcast %max3A : f32 to vector<1000x32xf32>
    %max3A_28 = arith.maximumf %add3A_26, %max3A_27 : vector<1000x32xf32>
    %get3A_29 = arith.constant 0 : index
    %get3A_30 = arith.constant 0 : index
    %get3A_31 = vector.load %arg5[%get3A_29, %get3A_30] : memref<32x32xf32, #tpu.memory_space<vmem>>, vector<32x32xf32>
    %dot_general3A = arith.constant dense<0.000000e+00> : vector<1000x32xf32>
    %dot_general3A_32 = tpu.matmul %max3A_28, %get3A_31, %dot_general3A {dimension_numbers = #tpu.dot_dimension_numbers<[1], [0], [0], [1], [0, 0, 1, 1], [], []>, transpose_lhs_hint = false} : vector<1000x32xf32>, vector<32x32xf32>, vector<1000x32xf32> -> vector<1000x32xf32>
    %mul3A_33 = vector.broadcast %rsqrt3A : vector<1000x1xf32> to vector<1000x32xf32>
    %mul3A_34 = arith.mulf %dot_general3A_32, %mul3A_33 : vector<1000x32xf32>
    %swap3A = arith.constant 0 : index
    %swap3A_35 = arith.constant 0 : index
    %swap3A_36 = vector.load %arg6[%swap3A, %swap3A_35] : memref<1000x32xf32, #tpu.memory_space<vmem>>, vector<1000x32xf32>
    tpu.vector_store %arg6[%swap3A, %swap3A_35], %mul3A_34 {strides = array<i32>} : memref<1000x32xf32, #tpu.memory_space<vmem>>, vector<1000x32xf32>,
    return
  }
  func.func @transform_0(%arg0: i32) -> (i32, i32, i32) {
    %c0_i32 = arith.constant 0 : i32
    %c0_i32_0 = arith.constant 0 : i32
    %c0_i32_1 = arith.constant 0 : i32
    return %c0_i32, %arg0, %c0_i32_0 : i32, i32, i32
  }
  func.func @transform_1(%arg0: i32) -> (i32, i32) {
    %c0_i32 = arith.constant 0 : i32
    %c0_i32_0 = arith.constant 0 : i32
    return %arg0, %c0_i32 : i32, i32
  }
  func.func @transform_2(%arg0: i32) -> (i32, i32, i32) {
    %c0_i32 = arith.constant 0 : i32
    %c0_i32_0 = arith.constant 0 : i32
    %c0_i32_1 = arith.constant 0 : i32
    return %c0_i32, %arg0, %c0_i32_0 : i32, i32, i32
  }
  func.func @transform_3(%arg0: i32) -> (i32, i32) {
    %c0_i32 = arith.constant 0 : i32
    %c0_i32_0 = arith.constant 0 : i32
    %c0_i32_1 = arith.constant 0 : i32
    return %c0_i32, %c0_i32_0 : i32, i32
  }
  func.func @transform_4(%arg0: i32) -> (i32, i32) {
    %c0_i32 = arith.constant 0 : i32
    %c0_i32_0 = arith.constant 0 : i32
    %c0_i32_1 = arith.constant 0 : i32
    return %c0_i32, %c0_i32_0 : i32, i32
  }
  func.func @transform_5(%arg0: i32) -> (i32, i32) {
    %c0_i32 = arith.constant 0 : i32
    %c0_i32_0 = arith.constant 0 : i32
    return %arg0, %c0_i32 : i32, i32
  }
}

module attributes {stable_mosaic.version = 14 : i64} {
  func.func @_tc_head_body(%arg0: i32, %arg1: memref<2x1000x32xf32, #tpu.memory_space<vmem>>, %arg2: memref<1000x32xf32, #tpu.memory_space<vmem>>, %arg3: memref<2x1000x16xf32, #tpu.memory_space<vmem>>, %arg4: memref<1x32xf32, #tpu.memory_space<vmem>>, %arg5: memref<32x16xf32, #tpu.memory_space<vmem>>, %arg6: memref<1x16xf32, #tpu.memory_space<vmem>>, %arg7: memref<16x4xf32, #tpu.memory_space<vmem>>, %arg8: memref<1x4xf32, #tpu.memory_space<vmem>>, %arg9: memref<1000x4xf32, #tpu.memory_space<vmem>>) attributes {dimension_semantics = [#tpu.dimension_semantics<arbitrary>], iteration_bounds = array<i64: 10>, scalar_prefetch = 0 : i64, scratch_operands = 0 : i64, tpu.core_type = #tpu.core_type<tc>, window_params = [{transform_indices = @transform_0, window_bounds = array<i64: 2, 1000, 32>}, {transform_indices = @transform_1, window_bounds = array<i64: 1000, 32>}, {transform_indices = @transform_2, window_bounds = array<i64: 2, 1000, 16>}, {pipeline_mode = #tpu.pipeline_mode<synchronous>, transform_indices = @transform_3, window_bounds = array<i64: 1, 32>}, {pipeline_mode = #tpu.pipeline_mode<synchronous>, transform_indices = @transform_4, window_bounds = array<i64: 32, 16>}, {pipeline_mode = #tpu.pipeline_mode<synchronous>, transform_indices = @transform_5, window_bounds = array<i64: 1, 16>}, {pipeline_mode = #tpu.pipeline_mode<synchronous>, transform_indices = @transform_6, window_bounds = array<i64: 16, 4>}, {pipeline_mode = #tpu.pipeline_mode<synchronous>, transform_indices = @transform_7, window_bounds = array<i64: 1, 4>}, {transform_indices = @transform_8, window_bounds = array<i64: 1000, 4>}]} {
    %get3A = arith.constant 0 : index
    %get3A_0 = arith.constant 0 : index
    %get3A_1 = arith.constant 0 : index
    %get3A_2 = vector.load %arg3[%get3A, %get3A_0, %get3A_1] : memref<2x1000x16xf32, #tpu.memory_space<vmem>>, vector<2x1000x16xf32>
    %slice3A = vector.extract_strided_slice %get3A_2 {offsets = [0, 0, 0], sizes = [1, 1000, 1], strides = [1, 1, 1]} : vector<2x1000x16xf32> to vector<1x1000x1xf32>
    %squeeze3A = vector.shape_cast %slice3A : vector<1x1000x1xf32> to vector<1000x1xf32>
    %slice3A_3 = vector.extract_strided_slice %get3A_2 {offsets = [1, 0, 0], sizes = [1, 1000, 1], strides = [1, 1, 1]} : vector<2x1000x16xf32> to vector<1x1000x1xf32>
    %squeeze3A_4 = vector.shape_cast %slice3A_3 : vector<1x1000x1xf32> to vector<1000x1xf32>
    %add3A = arith.addf %squeeze3A, %squeeze3A_4 : vector<1000x1xf32>
    %add3A_5 = arith.constant 1.000000e+00 : f32
    %add3A_6 = vector.broadcast %add3A_5 : f32 to vector<1000x1xf32>
    %add3A_7 = arith.addf %add3A, %add3A_6 : vector<1000x1xf32>
    %rsqrt3A = math.rsqrt %add3A_7 : vector<1000x1xf32>
    %get3A_8 = arith.constant 0 : index
    %get3A_9 = arith.constant 0 : index
    %get3A_10 = arith.constant 0 : index
    %get3A_11 = vector.load %arg1[%get3A_8, %get3A_9, %get3A_10] : memref<2x1000x32xf32, #tpu.memory_space<vmem>>, vector<2x1000x32xf32>
    %slice3A_12 = vector.extract_strided_slice %get3A_11 {offsets = [0, 0, 0], sizes = [1, 1000, 32], strides = [1, 1, 1]} : vector<2x1000x32xf32> to vector<1x1000x32xf32>
    %squeeze3A_13 = vector.shape_cast %slice3A_12 : vector<1x1000x32xf32> to vector<1000x32xf32>
    %slice3A_14 = vector.extract_strided_slice %get3A_11 {offsets = [1, 0, 0], sizes = [1, 1000, 32], strides = [1, 1, 1]} : vector<2x1000x32xf32> to vector<1x1000x32xf32>
    %squeeze3A_15 = vector.shape_cast %slice3A_14 : vector<1x1000x32xf32> to vector<1000x32xf32>
    %add3A_16 = arith.addf %squeeze3A_13, %squeeze3A_15 : vector<1000x32xf32>
    %get3A_17 = arith.constant 0 : index
    %get3A_18 = arith.constant 0 : index
    %get3A_19 = vector.load %arg2[%get3A_17, %get3A_18] : memref<1000x32xf32, #tpu.memory_space<vmem>>, vector<1000x32xf32>
    %add3A_20 = arith.addf %add3A_16, %get3A_19 : vector<1000x32xf32>
    %mul3A = vector.broadcast %rsqrt3A : vector<1000x1xf32> to vector<1000x32xf32>
    %mul3A_21 = arith.mulf %add3A_20, %mul3A : vector<1000x32xf32>
    %get3A_22 = arith.constant 0 : index
    %get3A_23 = arith.constant 0 : index
    %get3A_24 = vector.load %arg4[%get3A_22, %get3A_23] : memref<1x32xf32, #tpu.memory_space<vmem>>, vector<1x32xf32>
    %add3A_25 = vector.broadcast %get3A_24 : vector<1x32xf32> to vector<1000x32xf32>
    %add3A_26 = arith.addf %mul3A_21, %add3A_25 : vector<1000x32xf32>
    %max3A = arith.constant 0.000000e+00 : f32
    %max3A_27 = vector.broadcast %max3A : f32 to vector<1000x32xf32>
    %max3A_28 = arith.maximumf %add3A_26, %max3A_27 : vector<1000x32xf32>
    %get3A_29 = arith.constant 0 : index
    %get3A_30 = arith.constant 0 : index
    %get3A_31 = vector.load %arg5[%get3A_29, %get3A_30] : memref<32x16xf32, #tpu.memory_space<vmem>>, vector<32x16xf32>
    %dot_general3A = arith.constant dense<0.000000e+00> : vector<1000x16xf32>
    %dot_general3A_32 = tpu.matmul %max3A_28, %get3A_31, %dot_general3A {dimension_numbers = #tpu.dot_dimension_numbers<[1], [0], [0], [1], [0, 0, 1, 1], [], []>, transpose_lhs_hint = false} : vector<1000x32xf32>, vector<32x16xf32>, vector<1000x16xf32> -> vector<1000x16xf32>
    %get3A_33 = arith.constant 0 : index
    %get3A_34 = arith.constant 0 : index
    %get3A_35 = vector.load %arg6[%get3A_33, %get3A_34] : memref<1x16xf32, #tpu.memory_space<vmem>>, vector<1x16xf32>
    %add3A_36 = vector.broadcast %get3A_35 : vector<1x16xf32> to vector<1000x16xf32>
    %add3A_37 = arith.addf %dot_general3A_32, %add3A_36 : vector<1000x16xf32>
    %max3A_38 = arith.constant 0.000000e+00 : f32
    %max3A_39 = vector.broadcast %max3A_38 : f32 to vector<1000x16xf32>
    %max3A_40 = arith.maximumf %add3A_37, %max3A_39 : vector<1000x16xf32>
    %get3A_41 = arith.constant 0 : index
    %get3A_42 = arith.constant 0 : index
    %get3A_43 = vector.load %arg7[%get3A_41, %get3A_42] : memref<16x4xf32, #tpu.memory_space<vmem>>, vector<16x4xf32>
    %dot_general3A_44 = arith.constant dense<0.000000e+00> : vector<1000x4xf32>
    %dot_general3A_45 = tpu.matmul %max3A_40, %get3A_43, %dot_general3A_44 {dimension_numbers = #tpu.dot_dimension_numbers<[1], [0], [0], [1], [0, 0, 1, 1], [], []>, transpose_lhs_hint = false} : vector<1000x16xf32>, vector<16x4xf32>, vector<1000x4xf32> -> vector<1000x4xf32>
    %get3A_46 = arith.constant 0 : index
    %get3A_47 = arith.constant 0 : index
    %get3A_48 = vector.load %arg8[%get3A_46, %get3A_47] : memref<1x4xf32, #tpu.memory_space<vmem>>, vector<1x4xf32>
    %add3A_49 = vector.broadcast %get3A_48 : vector<1x4xf32> to vector<1000x4xf32>
    %add3A_50 = arith.addf %dot_general3A_45, %add3A_49 : vector<1000x4xf32>
    %swap3A = arith.constant 0 : index
    %swap3A_51 = arith.constant 0 : index
    %swap3A_52 = vector.load %arg9[%swap3A, %swap3A_51] : memref<1000x4xf32, #tpu.memory_space<vmem>>, vector<1000x4xf32>
    tpu.vector_store %arg9[%swap3A, %swap3A_51], %add3A_50 {strides = array<i32>} : memref<1000x4xf32, #tpu.memory_space<vmem>>, vector<1000x4xf32>,
    return
  }
  func.func @transform_0(%arg0: i32) -> (i32, i32, i32) {
    %c0_i32 = arith.constant 0 : i32
    %c0_i32_0 = arith.constant 0 : i32
    %c0_i32_1 = arith.constant 0 : i32
    return %c0_i32, %arg0, %c0_i32_0 : i32, i32, i32
  }
  func.func @transform_1(%arg0: i32) -> (i32, i32) {
    %c0_i32 = arith.constant 0 : i32
    %c0_i32_0 = arith.constant 0 : i32
    return %arg0, %c0_i32 : i32, i32
  }
  func.func @transform_2(%arg0: i32) -> (i32, i32, i32) {
    %c0_i32 = arith.constant 0 : i32
    %c0_i32_0 = arith.constant 0 : i32
    %c0_i32_1 = arith.constant 0 : i32
    return %c0_i32, %arg0, %c0_i32_0 : i32, i32, i32
  }
  func.func @transform_3(%arg0: i32) -> (i32, i32) {
    %c0_i32 = arith.constant 0 : i32
    %c0_i32_0 = arith.constant 0 : i32
    %c0_i32_1 = arith.constant 0 : i32
    return %c0_i32, %c0_i32_0 : i32, i32
  }
  func.func @transform_4(%arg0: i32) -> (i32, i32) {
    %c0_i32 = arith.constant 0 : i32
    %c0_i32_0 = arith.constant 0 : i32
    %c0_i32_1 = arith.constant 0 : i32
    return %c0_i32, %c0_i32_0 : i32, i32
  }
  func.func @transform_5(%arg0: i32) -> (i32, i32) {
    %c0_i32 = arith.constant 0 : i32
    %c0_i32_0 = arith.constant 0 : i32
    %c0_i32_1 = arith.constant 0 : i32
    return %c0_i32, %c0_i32_0 : i32, i32
  }
  func.func @transform_6(%arg0: i32) -> (i32, i32) {
    %c0_i32 = arith.constant 0 : i32
    %c0_i32_0 = arith.constant 0 : i32
    %c0_i32_1 = arith.constant 0 : i32
    return %c0_i32, %c0_i32_0 : i32, i32
  }
  func.func @transform_7(%arg0: i32) -> (i32, i32) {
    %c0_i32 = arith.constant 0 : i32
    %c0_i32_0 = arith.constant 0 : i32
    %c0_i32_1 = arith.constant 0 : i32
    return %c0_i32, %c0_i32_0 : i32, i32
  }
  func.func @transform_8(%arg0: i32) -> (i32, i32) {
    %c0_i32 = arith.constant 0 : i32
    %c0_i32_0 = arith.constant 0 : i32
    return %arg0, %c0_i32 : i32, i32
  }
}

</mosaic_0001>

<sc_bundles>
// kernel: kernel.10.cloned.1.call-start
scs
__scs_entry_jumppad:
0x0: {  	(pc) =	sbr.rel $0x88, $3  }
0x1: {  	(tag) =	ssettag $0x0;
	lr =	simm.s32 $0x1  }
0x2: {  	[smem:$0x3F95] =	sst lr;
	_ =	strace $0xD0000000  }
0x3: {  	_ = 	snop  }
0x4: {  	_ = 	snop  }
0x5: {  	_ = 	snop  }
0x6: {  	_ = 	snop  }
0x7: {  	_ = 	snop  }
__scs_overlays_trampoline_lowered:
0x8: {  	[smem:$0x3FA4] =	sst s0  }
0x9: {  	[smem:$0x3FA5] =	sst s1  }
0xa: {  	[smem:$0x3FA6] =	sst s2  }
0xb: {  	[smem:$0x3FA7] =	sst s3  }
0xc: {  	[smem:$0x3FA8] =	sst s4  }
0xd: {  	[smem:$0x3FA9] =	sst s5  }
0xe: {  	[smem:$0x3FAA] =	sst s6  }
0xf: {  	[smem:$0x3FAB] =	sst s7  }
0x10: {  	[smem:$0x3FAC] =	sst s8  }
0x11: {  	[smem:$0x3FAD] =	sst s9;
	s0 =	simm.s32 @!p0 $0x0  }
0x12: {  	s1 =	sld [smem:$0x3F93];
	s0 =	simm.s32 @p0 $0x1  }
0x13: {  	[smem:$0x3FAE] =	sst s0;
	s0 =	simm.s32 @!p1 $0x0  }
0x14: {  	s2 =	sld [smem:$0x3F92];
	s0 =	simm.s32 @p1 $0x1  }
0x15: {  	[smem:$0x3FAF] =	sst s0;
	s0 =	simm.s32 @!p2 $0x0  }
0x16: {  	s3 =	sld [smem:$0x3FDB];
	s0 =	simm.s32 @p2 $0x1  }
0x17: {  	s4 =	simm.s32 $0x1BF5;
	[smem:$0x3FB1] =	sst s0  }
0x18: {  	s0 =	sld [smem:$0x3F94];
	_ =	swait.ge [sflag:s4], $0x0  }
0x19: {  	s7 =	sld [smem:$0x3F95]  }
0x1a: {  	s8 =	sadd.s32 $0xFFFFE003, lr  }
0x1b: {  	s9 =	sadd.s32 $0xFFFFFEF7, lr;
	s5 =	simm.s32 $0xFFFFFFFF;
	p2 =	slt.u32 s8, $0xFFFFF086  }
0x1c: {  	p1 =	slt.u32 s9, $0xF7A;
	s5 =	simm.s32 @!p2 $0x0  }
0x1d: {  	s5 =	simm.s32 @p1 $0x1;
	p0 =	seq.s32 s7, s2  }
0x1e: {  	s7 =	smul.u32 @!p0 $0xF7A, s2;
	p2 =	seq.s32 @!p0 s5, $0x0  }
0x1f: {  	s9 =	smul.u32 $0xF7A, s1;
	s8 =	simm.s32 @!p0 $0x1BF5;
	p2 =	por !p2, p0  }
0x20: {  	[sflag:s8] =	ssyncset.s32 @!p0 $0xFFFFF086;
	s6 =	sadd.s32 @!p0 s3, s7;
	s7 =	simm.s32 @!p0 $0x108  }
0x21: {  	s3 =	sadd.s32 s3, s9;
	s6 =	sadd.s32 @!p0 $0x88, s6;
	s7 =	simm.s32 @p2 $0x1082  }
0x22: {  	[simem:s7], [sflag:s8] =	dma.local @!p0 [hbm:s6], $0xF7A  }
0x23: {  	s9 =	sor.u32 $0xD0000000, s2;
	s6 =	simm.s32 $0x108;
	_ =	swait.ge @!p0 [sflag:s8], $0x0  }
0x24: {  	s3 =	sadd.s32 $0x88, s3;
	s6 =	simm.s32 @!p1 $0x1082;
	[sflag:s4] =	ssyncset.s32 $0xFFFFF086  }
0x25: {  	[simem:s6], [sflag:s4] =	dma.local [hbm:s3], $0xF7A  }
0x26: {  	[smem:$0x3F95] =	sst s1;
	(tag) =	ssettag s2;
	_ =	strace s9  }
0x27: {  	s1 =	sld [smem:$0x3FA5]  }
0x28: {  	s2 =	sld [smem:$0x3FA6]  }
0x29: {  	s4 =	sld [smem:$0x3FA8]  }
0x2a: {  	p0 =	seq.s32 s5, $0x0;
	s5 =	sld [smem:$0x3FA9]  }
0x2b: {  	s6 =	sld [smem:$0x3FAA]  }
0x2c: {  	s7 =	sld [smem:$0x3FAB]  }
0x2d: {  	s3 =	simm.s32 $0x108;
	s8 =	sld [smem:$0x3FAC]  }
0x2e: {  	s3 =	simm.s32 @!p0 $0x1082;
	s9 =	sld [smem:$0x3FAD]  }
0x2f: {  	lr =	sadd.s32 s0, s3;
	s0 =	sld [smem:$0x3FA4]  }
0x30: {  	s3 =	sld [smem:$0x3FA7]  }
0x31: {  	[smem:$0x3FB0] =	sst s10  }
0x32: {  	s10 =	sld [smem:$0x3FAE];
	_ =	sdelay $0x3  }
0x33: {  	p0 =	seq.s32 s10, $0x1;
	s10 =	sld [smem:$0x3FB0];
	_ =	sdelay $0x3  }
0x34: {  	[smem:$0x3FB0] =	sst s10  }
0x35: {  	s10 =	sld [smem:$0x3FAF];
	_ =	sdelay $0x3  }
0x36: {  	p1 =	seq.s32 s10, $0x1;
	s10 =	sld [smem:$0x3FB0];
	_ =	sdelay $0x3  }
0x37: {  	[smem:$0x3FB0] =	sst s10  }
0x38: {  	s10 =	sld [smem:$0x3FB1]  }
0x39: {  	_ = 	snop;
	(pc) =	sbr.ind lr, $3  }
0x3a: {  	_ = 	snop  }
0x3b: {  	_ = 	snop  }
0x3c: {  	p2 =	seq.s32 s10, $0x1;
	s10 =	sld [smem:$0x3FB0]  }
0x3d: {  	_ =	shalt  }
0x3e: {  	_ =	shalt  }
0x3f: {  	_ =	shalt  }
0x40: {  	_ =	shalt  }
0x41: {  	_ =	shalt  }
0x42: {  	_ =	shalt  }
0x43: {  	_ =	shalt  }
0x44: {  	_ =	shalt  }
0x45: {  	_ =	shalt  }
0x46: {  	_ =	shalt  }
0x47: {  	_ =	shalt  }
0x48: {  	_ =	shalt  }
0x49: {  	_ =	shalt  }
0x4a: {  	_ =	shalt  }
0x4b: {  	_ =	shalt  }
0x4c: {  	_ =	shalt  }
0x4d: {  	_ =	shalt  }
0x4e: {  	_ =	shalt  }
0x4f: {  	_ =	shalt  }
0x50: {  	_ =	shalt  }
0x51: {  	_ =	shalt  }
0x52: {  	_ =	shalt  }
0x53: {  	_ =	shalt  }
0x54: {  	_ =	shalt  }
0x55: {  	_ =	shalt  }
0x56: {  	_ =	shalt  }
0x57: {  	_ =	shalt  }
0x58: {  	_ =	shalt  }
0x59: {  	_ =	shalt  }
0x5a: {  	_ =	shalt  }
0x5b: {  	_ =	shalt  }
0x5c: {  	_ =	shalt  }
0x5d: {  	_ =	shalt  }
0x5e: {  	_ =	shalt  }
0x5f: {  	_ =	shalt  }
0x60: {  	_ =	shalt  }
0x61: {  	_ =	shalt  }
0x62: {  	_ =	shalt  }
0x63: {  	_ =	shalt  }
0x64: {  	_ =	shalt  }
0x65: {  	_ =	shalt  }
0x66: {  	_ =	shalt  }
0x67: {  	_ =	shalt  }
0x68: {  	_ =	shalt  }
0x69: {  	_ =	shalt  }
0x6a: {  	_ =	shalt  }
0x6b: {  	_ =	shalt  }
0x6c: {  	_ =	shalt  }
0x6d: {  	_ =	shalt  }
0x6e: {  	_ =	shalt  }
0x6f: {  	_ =	shalt  }
0x70: {  	_ =	shalt  }
0x71: {  	_ =	shalt  }
0x72: {  	_ =	shalt  }
0x73: {  	_ =	shalt  }
0x74: {  	_ =	shalt  }
0x75: {  	_ =	shalt  }
0x76: {  	_ =	shalt  }
0x77: {  	_ =	shalt  }
0x78: {  	_ =	shalt  }
0x79: {  	_ =	shalt  }
0x7a: {  	_ =	shalt  }
0x7b: {  	_ =	shalt  }
0x7c: {  	_ =	shalt  }
0x7d: {  	_ =	shalt  }
0x7e: {  	_ =	shalt  }
0x7f: {  	_ =	shalt  }
0x80: {  	_ =	shalt  }
0x81: {  	_ =	shalt  }
0x82: {  	_ =	shalt  }
0x83: {  	_ =	shalt  }
0x84: {  	_ =	shalt  }
0x85: {  	_ =	shalt  }
0x86: {  	_ =	shalt  }
0x87: {  	_ =	shalt  }
.Lfunc_end0:
.L_simem_size_0:
called_computation_lowered:
.L_overlay_start_0:
0x88: {  	s2 =	sld [smem:$0x3FD9]  }
0x89: {  	s3 =	sld [smem:$0x3FFE];
	_ =	sdelay $0x1  }
0x8a: {  	s1 =	srdreg.scid  }
0x8b: {  	s0 =	sand.u32 $0x1, s1  }
0x8c: {  	s17 =	sshll.u32 s0, $0xA;
	s2 =	sadd.s32 s3, s2  }
0x8d: {  	s2 =	sadd.s32 s2, s17  }
0x8e: {  	[smem:$0x3FBC] =	sst s2  }
0x8f: {  	_ = 	snop  }
0x90: {  	s2 =	sld [smem:$0x3FD0];
	(tm) =	ssettm $0x1  }
0x91: {  	s18 =	sld [smem:$0x3FFB];
	_ =	sdelay $0x3  }
0x92: {  	_ =	strace s18  }
0x93: {  	s3 =	sld [smem:$0x3FFC];
	_ =	sdelay $0x3  }
0x94: {  	_ =	strace s3  }
0x95: {  	s3 =	sld [smem:$0x3FFD];
	_ =	sdelay $0x3  }
0x96: {  	_ =	strace s3  }
0x97: {  	_ =	strace $0x8FFFFFFF  }
0x98: {  	s19 =	sld [smem:$0x3FDB];
	_ =	sdelay $0x1  }
0x99: {  	s4 =	simm.s32 $_scs_section_size  }
0x9a: {  	s5 =	simm.s32 $_size__tile_overlayer_lowered;
	s6 =	simm.s32 $_tile_overlayer_lowered  }
0x9b: {  	s22 =	simm.s32 $0x1BFF;
	s21 =	sshll.u32 s6, $0x1;
	s3 =	sadd.s32 s4, s19  }
0x9c: {  	s7 =	simm.s32 $0x0;
	s20 =	sshll.u32 s5, $0x1;
	s5 =	sadd.s32 s21, s3  }
0x9d: {  	[timem:s7], [sflag:s22] =	dma.local [hbm:s5], s20  }
0x9e: {  	_ =	swait.ge [sflag:s22], s20  }
0x9f: {  	s4 =	ssub.s32 $0x0, s20;
	[sflag:s22] =	ssyncset.done $0x0  }
0xa0: {  	[sflag:s22] =	ssyncadd.s32 s4;
	_ =	sdelay $0x1  }
0xa1: {  	s23 =	simm.s32 $0x1B8B  }
0xa2: {  	_ =	swait.ge [sflag:s23], $0x1  }
0xa3: {  	[sflag:s23] =	ssyncset.done $0x0  }
0xa4: {  	s25 =	simm.s32 $0x1B8E;
	s24 =	sld [smem:$0x3FFE];
	[sflag:s23] =	ssyncadd.s32 $0xFFFFFFFF  }
0xa5: {  	s26 =	simm.s32 $execute0_lowered;
	[smem:$0x3FD2] =	sst s25  }
0xa6: {  	s5 =	sshll.u32 s26, $0x1;
	_ =	strace $0x80000046;
	[dreg:$0x1] =	wrdreg $0xFFFFFFFF  }
0xa7: {  	s28 =	simm.s32 $_size_execute0_lowered;
	s3 =	sadd.s32 s3, s5;
	[dreg:$0x0] =	wrdreg $0x0  }
0xa8: {  	s5 =	sshll.u32 s28, $0x1;
	[dreg:$0x2] =	wrdreg s3  }
0xa9: {  	[dreg:$0x3] =	wrdreg s5  }
0xaa: {  	[dreg:$0x4] =	wrdreg $0xC0  }
0xab: {  	_ =	task [dreg:s7], $0x5FFFF  }
0xac: {  	[dreg:$0x1] =	wrdreg $0xFFFFFFFF  }
0xad: {  	[dreg:$0x0] =	wrdreg $0x60  }
0xae: {  	[dreg:$0x2] =	wrdreg s24  }
0xaf: {  	[dreg:$0x3] =	wrdreg s2  }
0xb0: {  	[dreg:$0x4] =	wrdreg $0x2C100  }
0xb1: {  	[dreg:$0x5] =	wrdreg $0x9  }
0xb2: {  	_ =	task.clear_ibuf [dreg:s7], $0x6FFFF;
	_ =	strace $0x90000046  }
0xb3: {  	s29 =	simm.s32 $0x9;
	_ =	strace $0x80000048  }
0xb4: {  	_ =	swait.ge [sflag:s29], $0x1  }
0xb5: {  	[sflag:s29] =	ssyncadd.s32 $0xFFFFFFFF  }
0xb6: {  	_ =	strace $0x90000048  }
0xb7: {  	_ =	sfence  }
0xb8: {  	s30 =	sld [smem:$0x0];
	_ =	sdelay $0x2  }
0xb9: {  	s31 =	sshll.u32 s1, $0xD;
	s1 =	sshrl.u32 s1, $0x2  }
0xba: {  	s3 =	sand.u32 $0x4000, s31;
	s1 =	sadd.s32 s1, s30  }
0xbb: {  	s0 =	sor.u32 s3, s0;
	s1 =	sshll.u32 s1, $0x11  }
0xbc: {  	s0 =	sor.u32 s1, s0  }
0xbd: {  	s0 =	sadd.s32 $0x8F2B, s0  }
0xbe: {  	[sflag:s0] =	ssyncadd.remote.s32 $0x1  }
0xbf: {  	_ =	sfence.sel $0xFFFF  }
0xc0: {  	[dreg:$0x0] =	wrdreg $0xFFFFFFFF;
	(pc) =	sbr.abs _section_cstart, $3  }
0xc1: {  	[dreg:$0x1] =	wrdreg $0xFFFFFFFF  }
0xc2: {  	_ =	task.clear_ibuf [dreg:s7], $0x2FFFF;
	_ =	strace $0x9FFFFFFF  }
0xc3: {  	(tm) =	ssettm $0x7FFFFFFF  }
tec
execute0_lowered:
.L_overlay_start_1:
0x0: {  	(tag) =	ssettag $0x1  }
0x1: {  	s5 =	rddreg [dreg:$0x0]  }
0x2: {  	s1 =	srdreg.scid;
	s2 =	rddreg [dreg:$0x1]  }
0x3: {  	s0 =	stileid.u32;
	s3 =	rddreg [dreg:$0x2];
	s4 =	simm.s32 $0x0  }
0x4: {  	s13 =	simm.s32 $0x50;
	s14 =	simm.s32 $0x0;
	s6 =	sand.u32 $0x1, s1  }
0x5: {  	s30 =	sshll.u32 s0, $0x1;
	s8 =	smul.u32 $0x2800, s0;
	[smem:$0x7FF] =	sst s4  }
0x6: {  	s31 =	sshll.u32 s0, $0x6;
	s1 =	sor.u32 s6, s30;
	s9 =	smul.u32 $0x28000, s6  }
0x7: {  	s6 =	ssub.s32 $0x2, s6;
	s7 =	smul.u32 $0x4E2, s1;
	s1 =	rddreg [dreg:$0x3]  }
0x8: {  	_ =	strace $0x80000047;
	s10 =	sshrl.u32 s8, $0x3;
	s11 =	sshrl.u32 s6, $0x1  }
0x9: {  	s12 =	sadd.s32 s8, s3;
	s9 =	sadd.s32 s8, s9;
	s10 =	sadd.s32 s10, s5  }
0xa: {  	s11 =	ssub.s32 s6, s11;
	s6 =	sor.u32 $0x1C01, s31;
	s9 =	sshrl.u32 s9, $0x3  }
0xb: {  	s7 =	sadd.s32 s7, s5;
	s9 =	sadd.s32 s9, s5;
	s5 =	sadd.s32 $0x16200, s10  }
0xc: {  	s7 =	sadd.s32 $0xC400, s7;
	s10 =	sshrl.u32 s12, $0x3;
	s12 =	simm.s32 $0x2710  }
0xd: {  	s8 =	sadd.s32 $0x1B200, s9;
	s9 =	smax.u32 s11, $0x1;
	s11 =	simm.s32 $0x1  }
.LBB2_1:
0xe: {  	[spmem:s10], [sflag:s6] =	dma.local [hbm:s5], $0x500  }
0xf: {  	_ =	swait.ge [sflag:s11], $0x500  }
0x10: {  	[sflag:s11] =	ssyncset.done $0x0  }
0x11: {  	[sflag:s11] =	ssyncadd.s32 $0xFFFFFB00  }
0x12: {  	[tilespmem:s12], [sflag:$0x1] =	stream.linear.gather [hbm4b:s2+s4], $0x500, $0x38;
	[tilespmem:$0x5410] =	vst v63  }
0x13: {  	_ =	swait.ge [sflag:s11], $0x500  }
0x14: {  	[sflag:s11] =	ssyncset.done $0x0  }
0x15: {  	[sflag:s11] =	ssyncadd.s32 $0xFFFFFB00  }
0x16: {  	[tilespmem:s4], [sflag:$0x1] =	stream.linear.gather [hbm4b:s7+s4], $0x2710, $0x38;
	[tilespmem:$0x5410] =	vst v63  }
0x17: {  	_ =	swait.ge [sflag:s11], $0x2710  }
0x18: {  	[sflag:s11] =	ssyncset.done $0x0  }
0x19: {  	[sflag:s11] =	ssyncadd.s32 $0xFFFFD8F0  }
0x1a: {  	s15 =	simm.s32 $0x0;
	[bflag:$0x0] =	sbarrier.arrive $0xFFFF  }
0x1b: {  	[spmem:s3] =	stream.indirect.scatter.add.f32 [tilespmem:s12], [sflag:$0x1], $0x10, s15, s13, $0xb8;
	[tilespmem:$0x5410] =	vst v63  }
0x1c: {  	_ =	swait.ge [sflag:s11], $0x500  }
0x1d: {  	s15 =	simm.s32 $0x140;
	[sflag:s11] =	ssyncset.done $0x0  }
.LBB2_2:
0x1e: {  	s16 =	sshra.s32 s15, $0x2;
	[sflag:s11] =	ssyncadd.s32 $0xFFFFFB00;
	p0 =	sne.s32 s15, $0x9B00  }
0x1f: {  	[spmem:s3] =	stream.indirect.scatter.add.f32 [tilespmem:s12], [sflag:$0x1], $0x10, s16, s13, $0xb8;
	[tilespmem:$0x5410] =	vst v63  }
.Ltmp0:
0x20: {  	_ = 	snop;
	(pc) =	sbr.rel @p0 .LBB2_2-.Ltmp0, $4  }
0x21: {  	_ = 	snop  }
0x22: {  	s15 =	sadd.s32 $0x140, s15  }
0x23: {  	_ =	swait.ge [sflag:s11], $0x500  }
0x24: {  	[sflag:s11] =	ssyncset.done $0x0  }
0x25: {  	s14 =	sadd.s32 $0x1, s14  }
0x26: {  	[sflag:s11] =	ssyncadd.s32 $0xFFFFFB00;
	p0 =	sne.s32 s14, s9  }
.Ltmp1:
0x27: {  	[bflag:$0x0] =	sbarrier.arrive $0xFFFF;
	(pc) =	sbr.rel @p0 .LBB2_1-.Ltmp1, $4  }
0x28: {  	[hbm:s8], [sflag:s6] =	dma.local [spmem:s10], $0x500  }
0x29: {  	_ =	swait.ge [sflag:s11], $0x500  }
0x2a: {  	[sflag:s11] =	ssyncset.done $0x0  }
0x2b: {  	[sflag:s11] =	ssyncadd.s32 $0xFFFFFB00  }
0x2c: {  	_ =	sfence.sel $0x180000  }
0x2d: {  	[bflag:$0x0] =	sbarrier.arrive $0xFFFF  }
0x2e: {  	p0 =	sne.s32 s0, $0x0;
	_ =	strace $0x90000047  }
0x2f: {  	s0 =	sadd.s32 @!p0 $0x100000, s1;
	[bflag:$0x2] =	sbarrier.arrive $0xFFFF  }
0x30: {  	[sflag:s0] =	ssyncadd.tile.s32 @!p0 $0x1;
	_ =	shalt  }
.Lfunc_end2:
_tile_overlayer_lowered:
.L_overlay_start_2:
0x31: {  	(tag) =	ssettag $0x2  }
0x32: {  	s0 =	rddreg [dreg:$0x0];
	s2 =	stileid.u32  }
0x33: {  	s1 =	rddreg [dreg:$0x1];
	p0 =	sne.s32 s2, $0x0  }
0x34: {  	s3 =	rddreg [dreg:$0x2];
	[bflag:$0x3] =	sbarrier.arrive $0xFFFF;
	s2 =	simm.s32 @!p0 $0x1C01  }
0x35: {  	[timem:s3], [sflag:s2] =	dma.local @!p0 [hbm:s0], s1  }
0x36: {  	s0 =	simm.s32 @!p0 $0x1  }
0x37: {  	_ =	swait.ge @!p0 [sflag:s0], s1  }
0x38: {  	s1 =	ssub.s32 @!p0 $0x0, s1;
	[sflag:s0] =	ssyncset.done @!p0 $0x0  }
0x39: {  	[sflag:s0] =	ssyncadd.s32 @!p0 s1  }
0x3a: {  	[bflag:$0x3] =	sbarrier.arrive $0xFFFF  }
0x3b: {  	_ =	shalt  }

// kernel: kernel.13.cloned.1.call-start
scs
__scs_entry_jumppad:
0x0: {  	(pc) =	sbr.rel $0x88, $3  }
0x1: {  	(tag) =	ssettag $0x0;
	lr =	simm.s32 $0x1  }
0x2: {  	[smem:$0x3F95] =	sst lr;
	_ =	strace $0xD0000000  }
0x3: {  	_ = 	snop  }
0x4: {  	_ = 	snop  }
0x5: {  	_ = 	snop  }
0x6: {  	_ = 	snop  }
0x7: {  	_ = 	snop  }
__scs_overlays_trampoline_lowered:
0x8: {  	[smem:$0x3FA4] =	sst s0  }
0x9: {  	[smem:$0x3FA5] =	sst s1  }
0xa: {  	[smem:$0x3FA6] =	sst s2  }
0xb: {  	[smem:$0x3FA7] =	sst s3  }
0xc: {  	[smem:$0x3FA8] =	sst s4  }
0xd: {  	[smem:$0x3FA9] =	sst s5  }
0xe: {  	[smem:$0x3FAA] =	sst s6  }
0xf: {  	[smem:$0x3FAB] =	sst s7  }
0x10: {  	[smem:$0x3FAC] =	sst s8  }
0x11: {  	[smem:$0x3FAD] =	sst s9;
	s0 =	simm.s32 @!p0 $0x0  }
0x12: {  	s1 =	sld [smem:$0x3F93];
	s0 =	simm.s32 @p0 $0x1  }
0x13: {  	[smem:$0x3FAE] =	sst s0;
	s0 =	simm.s32 @!p1 $0x0  }
0x14: {  	s2 =	sld [smem:$0x3F92];
	s0 =	simm.s32 @p1 $0x1  }
0x15: {  	[smem:$0x3FAF] =	sst s0;
	s0 =	simm.s32 @!p2 $0x0  }
0x16: {  	s3 =	sld [smem:$0x3FDB];
	s0 =	simm.s32 @p2 $0x1  }
0x17: {  	s4 =	simm.s32 $0x1BF5;
	[smem:$0x3FB1] =	sst s0  }
0x18: {  	s0 =	sld [smem:$0x3F94];
	_ =	swait.ge [sflag:s4], $0x0  }
0x19: {  	s7 =	sld [smem:$0x3F95]  }
0x1a: {  	s8 =	sadd.s32 $0xFFFFE003, lr  }
0x1b: {  	s9 =	sadd.s32 $0xFFFFFEF7, lr;
	s5 =	simm.s32 $0xFFFFFFFF;
	p2 =	slt.u32 s8, $0xFFFFF086  }
0x1c: {  	p1 =	slt.u32 s9, $0xF7A;
	s5 =	simm.s32 @!p2 $0x0  }
0x1d: {  	s5 =	simm.s32 @p1 $0x1;
	p0 =	seq.s32 s7, s2  }
0x1e: {  	s7 =	smul.u32 @!p0 $0xF7A, s2;
	p2 =	seq.s32 @!p0 s5, $0x0  }
0x1f: {  	s9 =	smul.u32 $0xF7A, s1;
	s8 =	simm.s32 @!p0 $0x1BF5;
	p2 =	por !p2, p0  }
0x20: {  	[sflag:s8] =	ssyncset.s32 @!p0 $0xFFFFF086;
	s6 =	sadd.s32 @!p0 s3, s7;
	s7 =	simm.s32 @!p0 $0x108  }
0x21: {  	s3 =	sadd.s32 s3, s9;
	s6 =	sadd.s32 @!p0 $0x88, s6;
	s7 =	simm.s32 @p2 $0x1082  }
0x22: {  	[simem:s7], [sflag:s8] =	dma.local @!p0 [hbm:s6], $0xF7A  }
0x23: {  	s9 =	sor.u32 $0xD0000000, s2;
	s6 =	simm.s32 $0x108;
	_ =	swait.ge @!p0 [sflag:s8], $0x0  }
0x24: {  	s3 =	sadd.s32 $0x88, s3;
	s6 =	simm.s32 @!p1 $0x1082;
	[sflag:s4] =	ssyncset.s32 $0xFFFFF086  }
0x25: {  	[simem:s6], [sflag:s4] =	dma.local [hbm:s3], $0xF7A  }
0x26: {  	[smem:$0x3F95] =	sst s1;
	(tag) =	ssettag s2;
	_ =	strace s9  }
0x27: {  	s1 =	sld [smem:$0x3FA5]  }
0x28: {  	s2 =	sld [smem:$0x3FA6]  }
0x29: {  	s4 =	sld [smem:$0x3FA8]  }
0x2a: {  	p0 =	seq.s32 s5, $0x0;
	s5 =	sld [smem:$0x3FA9]  }
0x2b: {  	s6 =	sld [smem:$0x3FAA]  }
0x2c: {  	s7 =	sld [smem:$0x3FAB]  }
0x2d: {  	s3 =	simm.s32 $0x108;
	s8 =	sld [smem:$0x3FAC]  }
0x2e: {  	s3 =	simm.s32 @!p0 $0x1082;
	s9 =	sld [smem:$0x3FAD]  }
0x2f: {  	lr =	sadd.s32 s0, s3;
	s0 =	sld [smem:$0x3FA4]  }
0x30: {  	s3 =	sld [smem:$0x3FA7]  }
0x31: {  	[smem:$0x3FB0] =	sst s10  }
0x32: {  	s10 =	sld [smem:$0x3FAE];
	_ =	sdelay $0x3  }
0x33: {  	p0 =	seq.s32 s10, $0x1;
	s10 =	sld [smem:$0x3FB0];
	_ =	sdelay $0x3  }
0x34: {  	[smem:$0x3FB0] =	sst s10  }
0x35: {  	s10 =	sld [smem:$0x3FAF];
	_ =	sdelay $0x3  }
0x36: {  	p1 =	seq.s32 s10, $0x1;
	s10 =	sld [smem:$0x3FB0];
	_ =	sdelay $0x3  }
0x37: {  	[smem:$0x3FB0] =	sst s10  }
0x38: {  	s10 =	sld [smem:$0x3FB1]  }
0x39: {  	_ = 	snop;
	(pc) =	sbr.ind lr, $3  }
0x3a: {  	_ = 	snop  }
0x3b: {  	_ = 	snop  }
0x3c: {  	p2 =	seq.s32 s10, $0x1;
	s10 =	sld [smem:$0x3FB0]  }
0x3d: {  	_ =	shalt  }
0x3e: {  	_ =	shalt  }
0x3f: {  	_ =	shalt  }
0x40: {  	_ =	shalt  }
0x41: {  	_ =	shalt  }
0x42: {  	_ =	shalt  }
0x43: {  	_ =	shalt  }
0x44: {  	_ =	shalt  }
0x45: {  	_ =	shalt  }
0x46: {  	_ =	shalt  }
0x47: {  	_ =	shalt  }
0x48: {  	_ =	shalt  }
0x49: {  	_ =	shalt  }
0x4a: {  	_ =	shalt  }
0x4b: {  	_ =	shalt  }
0x4c: {  	_ =	shalt  }
0x4d: {  	_ =	shalt  }
0x4e: {  	_ =	shalt  }
0x4f: {  	_ =	shalt  }
0x50: {  	_ =	shalt  }
0x51: {  	_ =	shalt  }
0x52: {  	_ =	shalt  }
0x53: {  	_ =	shalt  }
0x54: {  	_ =	shalt  }
0x55: {  	_ =	shalt  }
0x56: {  	_ =	shalt  }
0x57: {  	_ =	shalt  }
0x58: {  	_ =	shalt  }
0x59: {  	_ =	shalt  }
0x5a: {  	_ =	shalt  }
0x5b: {  	_ =	shalt  }
0x5c: {  	_ =	shalt  }
0x5d: {  	_ =	shalt  }
0x5e: {  	_ =	shalt  }
0x5f: {  	_ =	shalt  }
0x60: {  	_ =	shalt  }
0x61: {  	_ =	shalt  }
0x62: {  	_ =	shalt  }
0x63: {  	_ =	shalt  }
0x64: {  	_ =	shalt  }
0x65: {  	_ =	shalt  }
0x66: {  	_ =	shalt  }
0x67: {  	_ =	shalt  }
0x68: {  	_ =	shalt  }
0x69: {  	_ =	shalt  }
0x6a: {  	_ =	shalt  }
0x6b: {  	_ =	shalt  }
0x6c: {  	_ =	shalt  }
0x6d: {  	_ =	shalt  }
0x6e: {  	_ =	shalt  }
0x6f: {  	_ =	shalt  }
0x70: {  	_ =	shalt  }
0x71: {  	_ =	shalt  }
0x72: {  	_ =	shalt  }
0x73: {  	_ =	shalt  }
0x74: {  	_ =	shalt  }
0x75: {  	_ =	shalt  }
0x76: {  	_ =	shalt  }
0x77: {  	_ =	shalt  }
0x78: {  	_ =	shalt  }
0x79: {  	_ =	shalt  }
0x7a: {  	_ =	shalt  }
0x7b: {  	_ =	shalt  }
0x7c: {  	_ =	shalt  }
0x7d: {  	_ =	shalt  }
0x7e: {  	_ =	shalt  }
0x7f: {  	_ =	shalt  }
0x80: {  	_ =	shalt  }
0x81: {  	_ =	shalt  }
0x82: {  	_ =	shalt  }
0x83: {  	_ =	shalt  }
0x84: {  	_ =	shalt  }
0x85: {  	_ =	shalt  }
0x86: {  	_ =	shalt  }
0x87: {  	_ =	shalt  }
.Lfunc_end0:
.L_simem_size_0:
called_computation.1_lowered:
.L_overlay_start_0:
0x88: {  	s2 =	sld [smem:$0x3FD9]  }
0x89: {  	s3 =	sld [smem:$0x3FFE];
	_ =	sdelay $0x1  }
0x8a: {  	s1 =	srdreg.scid  }
0x8b: {  	s0 =	sand.u32 $0x1, s1  }
0x8c: {  	s16 =	sshll.u32 s0, $0xA;
	s2 =	sadd.s32 s3, s2  }
0x8d: {  	s2 =	sadd.s32 s2, s16  }
0x8e: {  	[smem:$0x3FBC] =	sst s2  }
0x8f: {  	_ = 	snop  }
0x90: {  	(tm) =	ssettm $0x1  }
0x91: {  	s17 =	sld [smem:$0x3FFB];
	_ =	sdelay $0x3  }
0x92: {  	_ =	strace s17  }
0x93: {  	s2 =	sld [smem:$0x3FFC];
	_ =	sdelay $0x3  }
0x94: {  	_ =	strace s2  }
0x95: {  	s2 =	sld [smem:$0x3FFD];
	_ =	sdelay $0x3  }
0x96: {  	_ =	strace s2  }
0x97: {  	_ =	strace $0x8FFFFFFF  }
0x98: {  	s18 =	sld [smem:$0x3FDB];
	_ =	sdelay $0x1  }
0x99: {  	s19 =	simm.s32 $_scs_section_size  }
0x9a: {  	s4 =	simm.s32 $_size__tile_overlayer_lowered;
	s5 =	simm.s32 $_tile_overlayer_lowered  }
0x9b: {  	s22 =	simm.s32 $0x1BFF;
	s21 =	sshll.u32 s5, $0x1;
	s2 =	sadd.s32 s19, s18  }
0x9c: {  	s6 =	simm.s32 $0x0;
	s20 =	sshll.u32 s4, $0x1;
	s4 =	sadd.s32 s21, s2  }
0x9d: {  	[timem:s6], [sflag:s22] =	dma.local [hbm:s4], s20  }
0x9e: {  	_ =	swait.ge [sflag:s22], s20  }
0x9f: {  	s3 =	ssub.s32 $0x0, s20;
	[sflag:s22] =	ssyncset.done $0x0  }
0xa0: {  	[sflag:s22] =	ssyncadd.s32 s3;
	_ =	sdelay $0x1  }
0xa1: {  	s23 =	simm.s32 $0x1B8B  }
0xa2: {  	_ =	swait.ge [sflag:s23], $0x1  }
0xa3: {  	[sflag:s23] =	ssyncset.done $0x0  }
0xa4: {  	s25 =	simm.s32 $0x1B8E;
	s24 =	sld [smem:$0x3FFE];
	[sflag:s23] =	ssyncadd.s32 $0xFFFFFFFF  }
0xa5: {  	s26 =	simm.s32 $execute0_lowered;
	[smem:$0x3FD2] =	sst s25  }
0xa6: {  	s4 =	sshll.u32 s26, $0x1;
	_ =	strace $0x80000049;
	[dreg:$0x1] =	wrdreg $0xFFFFFFFF  }
0xa7: {  	s28 =	simm.s32 $_size_execute0_lowered;
	s2 =	sadd.s32 s2, s4;
	[dreg:$0x0] =	wrdreg $0x0  }
0xa8: {  	s4 =	sshll.u32 s28, $0x1;
	[dreg:$0x2] =	wrdreg s2  }
0xa9: {  	[dreg:$0x3] =	wrdreg s4  }
0xaa: {  	[dreg:$0x4] =	wrdreg $0xC0  }
0xab: {  	_ =	task [dreg:s6], $0x5FFFF  }
0xac: {  	[dreg:$0x1] =	wrdreg $0xFFFFFFFF  }
0xad: {  	[dreg:$0x0] =	wrdreg $0x60  }
0xae: {  	[dreg:$0x2] =	wrdreg s24  }
0xaf: {  	[dreg:$0x3] =	wrdreg $0x58200  }
0xb0: {  	[dreg:$0x4] =	wrdreg $0xA6400  }
0xb1: {  	[dreg:$0x5] =	wrdreg $0x9  }
0xb2: {  	_ =	task.clear_ibuf [dreg:s6], $0x6FFFF;
	_ =	strace $0x90000049  }
0xb3: {  	s29 =	simm.s32 $0x9;
	_ =	strace $0x8000004B  }
0xb4: {  	_ =	swait.ge [sflag:s29], $0x1  }
0xb5: {  	[sflag:s29] =	ssyncadd.s32 $0xFFFFFFFF  }
0xb6: {  	_ =	strace $0x9000004B  }
0xb7: {  	_ =	sfence  }
0xb8: {  	s30 =	sld [smem:$0x0];
	_ =	sdelay $0x2  }
0xb9: {  	s31 =	sshll.u32 s1, $0xD;
	s1 =	sshrl.u32 s1, $0x2  }
0xba: {  	s3 =	sand.u32 $0x4000, s31;
	s1 =	sadd.s32 s1, s30  }
0xbb: {  	s0 =	sor.u32 s3, s0;
	s1 =	sshll.u32 s1, $0x11  }
0xbc: {  	s0 =	sor.u32 s1, s0  }
0xbd: {  	s0 =	sadd.s32 $0x8F2B, s0  }
0xbe: {  	[sflag:s0] =	ssyncadd.remote.s32 $0x1  }
0xbf: {  	_ =	sfence.sel $0xFFFF  }
0xc0: {  	[dreg:$0x0] =	wrdreg $0xFFFFFFFF;
	(pc) =	sbr.abs _section_cstart, $3  }
0xc1: {  	[dreg:$0x1] =	wrdreg $0xFFFFFFFF  }
0xc2: {  	_ =	task.clear_ibuf [dreg:s6], $0x2FFFF;
	_ =	strace $0x9FFFFFFF  }
0xc3: {  	(tm) =	ssettm $0x7FFFFFFF  }
tec
execute0_lowered:
.L_overlay_start_1:
0x0: {  	(tag) =	ssettag $0x1  }
0x1: {  	s6 =	rddreg [dreg:$0x0]  }
0x2: {  	s1 =	srdreg.scid;
	s2 =	rddreg [dreg:$0x1]  }
0x3: {  	s0 =	stileid.u32;
	s3 =	rddreg [dreg:$0x2]  }
0x4: {  	s4 =	simm.s32 $0x0;
	s17 =	simm.s32 $0x1;
	s18 =	simm.s32 $0x2710  }
0x5: {  	s19 =	simm.s32 $0x50;
	s20 =	simm.s32 $0x4E20;
	s21 =	simm.s32 $0x0  }
0x6: {  	s5 =	sand.u32 $0x1, s1;
	s28 =	sshll.u32 s0, $0x1;
	s8 =	smul.u32 $0x5000, s0  }
0x7: {  	[smem:$0x7FF] =	sst s4;
	s13 =	sadd.s32 $0x4B000, s2;
	p0 =	seq.s32 s0, $0xF  }
0x8: {  	s15 =	sshll.u32 s0, $0x6;
	s1 =	sor.u32 s5, s28;
	s9 =	smul.u32 $0x50000, s5  }
0x9: {  	s5 =	ssub.s32 $0x2, s5;
	s15 =	sor.u32 $0x1C01, s15;
	s7 =	smul.u32 $0x4E2, s1  }
0xa: {  	s1 =	rddreg [dreg:$0x3];
	_ =	strace $0x8000004A;
	s30 =	sshrl.u32 s8, $0x3  }
0xb: {  	s31 =	sshrl.u32 s5, $0x1;
	s14 =	sadd.s32 s8, s2;
	s16 =	sadd.s32 s8, s3  }
0xc: {  	s29 =	sadd.s32 s8, s9;
	s9 =	sadd.s32 s30, s6;
	s12 =	ssub.s32 s5, s31  }
0xd: {  	s14 =	sshrl.u32 @!p0 s14, $0x3;
	s10 =	sadd.s32 s7, s6;
	s7 =	sshrl.u32 s29, $0x3  }
0xe: {  	s5 =	sadd.s32 $0x16200, s9;
	s11 =	sadd.s32 s7, s6;
	s7 =	sadd.s32 $0x9C600, s9  }
0xf: {  	s8 =	sadd.s32 $0x2600, s10;
	s9 =	sadd.s32 $0xC400, s10;
	s10 =	sadd.s32 $0xA6600, s11  }
0x10: {  	s11 =	smax.u32 s12, $0x1;
	s12 =	sshrl.u32 @p0 s13, $0x3;
	s13 =	sshll.u32 @!p0 s0, $0x6  }
0x11: {  	s16 =	sshrl.u32 s16, $0x3;
	s6 =	sadd.s32 $0x1F800, s6;
	s13 =	sor.u32 @!p0 $0x1C01, s13  }
.LBB2_1:
0x12: {  	s22 =	simm.s32 @p0 $0x1FC1  }
0x13: {  	[spmem:s12], [sflag:s22] =	dma.local @p0 [hbm:s6], $0x640  }
0x14: {  	s22 =	simm.s32 @p0 $0x1  }
0x15: {  	_ =	swait.ge @p0 [sflag:s22], $0x640  }
0x16: {  	[sflag:s22] =	ssyncset.done @p0 $0x0  }
0x17: {  	[sflag:s22] =	ssyncadd.s32 @p0 $0xFFFFF9C0;
	s22 =	simm.s32 @!p0 $0x1  }
0x18: {  	[spmem:s14], [sflag:s13] =	dma.local @!p0 [hbm:s5], $0xA00  }
0x19: {  	_ =	swait.ge @!p0 [sflag:s22], $0xA00  }
0x1a: {  	[sflag:s22] =	ssyncset.done @!p0 $0x0  }
0x1b: {  	[sflag:s22] =	ssyncadd.s32 @!p0 $0xFFFFF600  }
0x1c: {  	[spmem:s16], [sflag:s15] =	dma.local [hbm:s7], $0xA00  }
0x1d: {  	_ =	swait.ge [sflag:s17], $0xA00  }
0x1e: {  	[sflag:s17] =	ssyncset.done $0x0  }
0x1f: {  	[sflag:s17] =	ssyncadd.s32 $0xFFFFF600  }
0x20: {  	[tilespmem:s4], [sflag:$0x1] =	stream.linear.gather [hbm4b:s8+s4], $0x2710, $0x38;
	[tilespmem:$0xF640] =	vst v63  }
0x21: {  	_ =	swait.ge [sflag:s17], $0x2710  }
0x22: {  	[sflag:s17] =	ssyncset.done $0x0  }
0x23: {  	[sflag:s17] =	ssyncadd.s32 $0xFFFFD8F0  }
0x24: {  	[tilespmem:s18], [sflag:$0x1] =	stream.linear.gather [hbm4b:s9+s4], $0x2710, $0x38;
	[tilespmem:$0xF640] =	vst v63  }
0x25: {  	_ =	swait.ge [sflag:s17], $0x2710  }
0x26: {  	[sflag:s17] =	ssyncset.done $0x0  }
0x27: {  	[sflag:s17] =	ssyncadd.s32 $0xFFFFD8F0  }
0x28: {  	s30 =	simm.s32 $0x0;
	[bflag:$0x0] =	sbarrier.arrive $0xFFFF  }
0x29: {  	[tilespmem:s20], [sflag:$0x1] =	stream.indirect.gather [spmem:s2], $0x20, s30, s19, $0xb8;
	[tilespmem:$0xF640] =	vst v63  }
0x2a: {  	_ =	swait.ge [sflag:s17], $0xA00  }
0x2b: {  	[sflag:s17] =	ssyncset.done $0x0  }
0x2c: {  	s31 =	simm.s32 $0x2710;
	[sflag:s17] =	ssyncadd.s32 $0xFFFFF600  }
0x2d: {  	[spmem:s3] =	stream.indirect.scatter.add.f32 [tilespmem:s20], [sflag:$0x1], $0x20, s31, s19, $0xb8;
	[tilespmem:$0xF640] =	vst v63  }
0x2e: {  	_ =	swait.ge [sflag:s17], $0xA00  }
0x2f: {  	s23 =	simm.s32 $0x280;
	s22 =	simm.s32 $0x140;
	[sflag:s17] =	ssyncset.done $0x0  }
.LBB2_2:
0x30: {  	s24 =	sshra.s32 s22, $0x2  }
0x31: {  	[sflag:s17] =	ssyncadd.s32 $0xFFFFF600;
	s22 =	smov.u32 s23;
	s25 =	sadd.s32 $0x140, s23  }
0x32: {  	[tilespmem:s20], [sflag:$0x1] =	stream.indirect.gather [spmem:s2], $0x20, s24, s19, $0xb8;
	[tilespmem:$0xF640] =	vst v63  }
0x33: {  	p1 =	sne.s32 s23, $0x9B00;
	_ =	swait.ge [sflag:s17], $0xA00  }
.Ltmp0:
0x34: {  	[sflag:s17] =	ssyncset.done $0x0;
	(pc) =	sbr.rel @p1 .LBB2_2-.Ltmp0, $4  }
0x35: {  	s23 =	sadd.s32 $0x2710, s24;
	[sflag:s17] =	ssyncadd.s32 $0xFFFFF600  }
0x36: {  	[spmem:s3] =	stream.indirect.scatter.add.f32 [tilespmem:s20], [sflag:$0x1], $0x20, s23, s19, $0xb8;
	[tilespmem:$0xF640] =	vst v63  }
0x37: {  	_ =	swait.ge [sflag:s17], $0xA00  }
0x38: {  	s23 =	smov.u32 s25;
	[sflag:s17] =	ssyncset.done $0x0  }
0x39: {  	s22 =	sshra.s32 s22, $0x2;
	[sflag:s17] =	ssyncadd.s32 $0xFFFFF600  }
0x3a: {  	[tilespmem:s20], [sflag:$0x1] =	stream.indirect.gather [spmem:s2], $0x20, s22, s19, $0xb8;
	[tilespmem:$0xF640] =	vst v63  }
0x3b: {  	_ =	swait.ge [sflag:s17], $0xA00  }
0x3c: {  	[sflag:s17] =	ssyncset.done $0x0  }
0x3d: {  	s22 =	sadd.s32 $0x2710, s22;
	[sflag:s17] =	ssyncadd.s32 $0xFFFFF600  }
0x3e: {  	[spmem:s3] =	stream.indirect.scatter.add.f32 [tilespmem:s20], [sflag:$0x1], $0x20, s22, s19, $0xb8;
	[tilespmem:$0xF640] =	vst v63  }
0x3f: {  	_ =	swait.ge [sflag:s17], $0xA00  }
0x40: {  	s21 =	sadd.s32 $0x1, s21;
	[sflag:s17] =	ssyncset.done $0x0  }
0x41: {  	p1 =	sne.s32 s21, s11;
	[sflag:s17] =	ssyncadd.s32 $0xFFFFF600  }
.Ltmp1:
0x42: {  	[bflag:$0x0] =	sbarrier.arrive $0xFFFF;
	(pc) =	sbr.rel @p1 .LBB2_1-.Ltmp1, $4  }
0x43: {  	[hbm:s10], [sflag:s15] =	dma.local [spmem:s16], $0xA00  }
0x44: {  	_ =	swait.ge [sflag:s17], $0xA00  }
0x45: {  	[sflag:s17] =	ssyncset.done $0x0  }
0x46: {  	[sflag:s17] =	ssyncadd.s32 $0xFFFFF600  }
0x47: {  	_ =	sfence.sel $0x180000  }
0x48: {  	[bflag:$0x0] =	sbarrier.arrive $0xFFFF  }
0x49: {  	p0 =	sne.s32 s0, $0x0;
	_ =	strace $0x9000004A  }
0x4a: {  	s0 =	sadd.s32 @!p0 $0x100000, s1;
	[bflag:$0x2] =	sbarrier.arrive $0xFFFF  }
0x4b: {  	[sflag:s0] =	ssyncadd.tile.s32 @!p0 $0x1;
	_ =	shalt  }
.Lfunc_end2:
_tile_overlayer_lowered:
.L_overlay_start_2:
0x4c: {  	(tag) =	ssettag $0x2  }
0x4d: {  	s0 =	rddreg [dreg:$0x0];
	s2 =	stileid.u32  }
0x4e: {  	s1 =	rddreg [dreg:$0x1];
	p0 =	sne.s32 s2, $0x0  }
0x4f: {  	s3 =	rddreg [dreg:$0x2];
	[bflag:$0x3] =	sbarrier.arrive $0xFFFF;
	s2 =	simm.s32 @!p0 $0x1C01  }
0x50: {  	[timem:s3], [sflag:s2] =	dma.local @!p0 [hbm:s0], s1  }
0x51: {  	s0 =	simm.s32 @!p0 $0x1  }
0x52: {  	_ =	swait.ge @!p0 [sflag:s0], s1  }
0x53: {  	s1 =	ssub.s32 @!p0 $0x0, s1;
	[sflag:s0] =	ssyncset.done @!p0 $0x0  }
0x54: {  	[sflag:s0] =	ssyncadd.s32 @!p0 s1  }
0x55: {  	[bflag:$0x3] =	sbarrier.arrive $0xFFFF  }
0x56: {  	_ =	shalt  }

// kernel: kernel.16.cloned.1.call-start
scs
__scs_entry_jumppad:
0x0: {  	(pc) =	sbr.rel $0x88, $3  }
0x1: {  	(tag) =	ssettag $0x0;
	lr =	simm.s32 $0x1  }
0x2: {  	[smem:$0x3F95] =	sst lr;
	_ =	strace $0xD0000000  }
0x3: {  	_ = 	snop  }
0x4: {  	_ = 	snop  }
0x5: {  	_ = 	snop  }
0x6: {  	_ = 	snop  }
0x7: {  	_ = 	snop  }
__scs_overlays_trampoline_lowered:
0x8: {  	[smem:$0x3FA4] =	sst s0  }
0x9: {  	[smem:$0x3FA5] =	sst s1  }
0xa: {  	[smem:$0x3FA6] =	sst s2  }
0xb: {  	[smem:$0x3FA7] =	sst s3  }
0xc: {  	[smem:$0x3FA8] =	sst s4  }
0xd: {  	[smem:$0x3FA9] =	sst s5  }
0xe: {  	[smem:$0x3FAA] =	sst s6  }
0xf: {  	[smem:$0x3FAB] =	sst s7  }
0x10: {  	[smem:$0x3FAC] =	sst s8  }
0x11: {  	[smem:$0x3FAD] =	sst s9;
	s0 =	simm.s32 @!p0 $0x0  }
0x12: {  	s1 =	sld [smem:$0x3F93];
	s0 =	simm.s32 @p0 $0x1  }
0x13: {  	[smem:$0x3FAE] =	sst s0;
	s0 =	simm.s32 @!p1 $0x0  }
0x14: {  	s2 =	sld [smem:$0x3F92];
	s0 =	simm.s32 @p1 $0x1  }
0x15: {  	[smem:$0x3FAF] =	sst s0;
	s0 =	simm.s32 @!p2 $0x0  }
0x16: {  	s3 =	sld [smem:$0x3FDB];
	s0 =	simm.s32 @p2 $0x1  }
0x17: {  	s4 =	simm.s32 $0x1BF5;
	[smem:$0x3FB1] =	sst s0  }
0x18: {  	s0 =	sld [smem:$0x3F94];
	_ =	swait.ge [sflag:s4], $0x0  }
0x19: {  	s7 =	sld [smem:$0x3F95]  }
0x1a: {  	s8 =	sadd.s32 $0xFFFFE003, lr  }
0x1b: {  	s9 =	sadd.s32 $0xFFFFFEF7, lr;
	s5 =	simm.s32 $0xFFFFFFFF;
	p2 =	slt.u32 s8, $0xFFFFF086  }
0x1c: {  	p1 =	slt.u32 s9, $0xF7A;
	s5 =	simm.s32 @!p2 $0x0  }
0x1d: {  	s5 =	simm.s32 @p1 $0x1;
	p0 =	seq.s32 s7, s2  }
0x1e: {  	s7 =	smul.u32 @!p0 $0xF7A, s2;
	p2 =	seq.s32 @!p0 s5, $0x0  }
0x1f: {  	s9 =	smul.u32 $0xF7A, s1;
	s8 =	simm.s32 @!p0 $0x1BF5;
	p2 =	por !p2, p0  }
0x20: {  	[sflag:s8] =	ssyncset.s32 @!p0 $0xFFFFF086;
	s6 =	sadd.s32 @!p0 s3, s7;
	s7 =	simm.s32 @!p0 $0x108  }
0x21: {  	s3 =	sadd.s32 s3, s9;
	s6 =	sadd.s32 @!p0 $0x88, s6;
	s7 =	simm.s32 @p2 $0x1082  }
0x22: {  	[simem:s7], [sflag:s8] =	dma.local @!p0 [hbm:s6], $0xF7A  }
0x23: {  	s9 =	sor.u32 $0xD0000000, s2;
	s6 =	simm.s32 $0x108;
	_ =	swait.ge @!p0 [sflag:s8], $0x0  }
0x24: {  	s3 =	sadd.s32 $0x88, s3;
	s6 =	simm.s32 @!p1 $0x1082;
	[sflag:s4] =	ssyncset.s32 $0xFFFFF086  }
0x25: {  	[simem:s6], [sflag:s4] =	dma.local [hbm:s3], $0xF7A  }
0x26: {  	[smem:$0x3F95] =	sst s1;
	(tag) =	ssettag s2;
	_ =	strace s9  }
0x27: {  	s1 =	sld [smem:$0x3FA5]  }
0x28: {  	s2 =	sld [smem:$0x3FA6]  }
0x29: {  	s4 =	sld [smem:$0x3FA8]  }
0x2a: {  	p0 =	seq.s32 s5, $0x0;
	s5 =	sld [smem:$0x3FA9]  }
0x2b: {  	s6 =	sld [smem:$0x3FAA]  }
0x2c: {  	s7 =	sld [smem:$0x3FAB]  }
0x2d: {  	s3 =	simm.s32 $0x108;
	s8 =	sld [smem:$0x3FAC]  }
0x2e: {  	s3 =	simm.s32 @!p0 $0x1082;
	s9 =	sld [smem:$0x3FAD]  }
0x2f: {  	lr =	sadd.s32 s0, s3;
	s0 =	sld [smem:$0x3FA4]  }
0x30: {  	s3 =	sld [smem:$0x3FA7]  }
0x31: {  	[smem:$0x3FB0] =	sst s10  }
0x32: {  	s10 =	sld [smem:$0x3FAE];
	_ =	sdelay $0x3  }
0x33: {  	p0 =	seq.s32 s10, $0x1;
	s10 =	sld [smem:$0x3FB0];
	_ =	sdelay $0x3  }
0x34: {  	[smem:$0x3FB0] =	sst s10  }
0x35: {  	s10 =	sld [smem:$0x3FAF];
	_ =	sdelay $0x3  }
0x36: {  	p1 =	seq.s32 s10, $0x1;
	s10 =	sld [smem:$0x3FB0];
	_ =	sdelay $0x3  }
0x37: {  	[smem:$0x3FB0] =	sst s10  }
0x38: {  	s10 =	sld [smem:$0x3FB1]  }
0x39: {  	_ = 	snop;
	(pc) =	sbr.ind lr, $3  }
0x3a: {  	_ = 	snop  }
0x3b: {  	_ = 	snop  }
0x3c: {  	p2 =	seq.s32 s10, $0x1;
	s10 =	sld [smem:$0x3FB0]  }
0x3d: {  	_ =	shalt  }
0x3e: {  	_ =	shalt  }
0x3f: {  	_ =	shalt  }
0x40: {  	_ =	shalt  }
0x41: {  	_ =	shalt  }
0x42: {  	_ =	shalt  }
0x43: {  	_ =	shalt  }
0x44: {  	_ =	shalt  }
0x45: {  	_ =	shalt  }
0x46: {  	_ =	shalt  }
0x47: {  	_ =	shalt  }
0x48: {  	_ =	shalt  }
0x49: {  	_ =	shalt  }
0x4a: {  	_ =	shalt  }
0x4b: {  	_ =	shalt  }
0x4c: {  	_ =	shalt  }
0x4d: {  	_ =	shalt  }
0x4e: {  	_ =	shalt  }
0x4f: {  	_ =	shalt  }
0x50: {  	_ =	shalt  }
0x51: {  	_ =	shalt  }
0x52: {  	_ =	shalt  }
0x53: {  	_ =	shalt  }
0x54: {  	_ =	shalt  }
0x55: {  	_ =	shalt  }
0x56: {  	_ =	shalt  }
0x57: {  	_ =	shalt  }
0x58: {  	_ =	shalt  }
0x59: {  	_ =	shalt  }
0x5a: {  	_ =	shalt  }
0x5b: {  	_ =	shalt  }
0x5c: {  	_ =	shalt  }
0x5d: {  	_ =	shalt  }
0x5e: {  	_ =	shalt  }
0x5f: {  	_ =	shalt  }
0x60: {  	_ =	shalt  }
0x61: {  	_ =	shalt  }
0x62: {  	_ =	shalt  }
0x63: {  	_ =	shalt  }
0x64: {  	_ =	shalt  }
0x65: {  	_ =	shalt  }
0x66: {  	_ =	shalt  }
0x67: {  	_ =	shalt  }
0x68: {  	_ =	shalt  }
0x69: {  	_ =	shalt  }
0x6a: {  	_ =	shalt  }
0x6b: {  	_ =	shalt  }
0x6c: {  	_ =	shalt  }
0x6d: {  	_ =	shalt  }
0x6e: {  	_ =	shalt  }
0x6f: {  	_ =	shalt  }
0x70: {  	_ =	shalt  }
0x71: {  	_ =	shalt  }
0x72: {  	_ =	shalt  }
0x73: {  	_ =	shalt  }
0x74: {  	_ =	shalt  }
0x75: {  	_ =	shalt  }
0x76: {  	_ =	shalt  }
0x77: {  	_ =	shalt  }
0x78: {  	_ =	shalt  }
0x79: {  	_ =	shalt  }
0x7a: {  	_ =	shalt  }
0x7b: {  	_ =	shalt  }
0x7c: {  	_ =	shalt  }
0x7d: {  	_ =	shalt  }
0x7e: {  	_ =	shalt  }
0x7f: {  	_ =	shalt  }
0x80: {  	_ =	shalt  }
0x81: {  	_ =	shalt  }
0x82: {  	_ =	shalt  }
0x83: {  	_ =	shalt  }
0x84: {  	_ =	shalt  }
0x85: {  	_ =	shalt  }
0x86: {  	_ =	shalt  }
0x87: {  	_ =	shalt  }
.Lfunc_end0:
.L_simem_size_0:
called_computation.2_lowered:
.L_overlay_start_0:
0x88: {  	s2 =	sld [smem:$0x3FD9]  }
0x89: {  	s3 =	sld [smem:$0x3FFE];
	_ =	sdelay $0x1  }
0x8a: {  	s1 =	srdreg.scid  }
0x8b: {  	s0 =	sand.u32 $0x1, s1  }
0x8c: {  	s16 =	sshll.u32 s0, $0xA;
	s2 =	sadd.s32 s3, s2  }
0x8d: {  	s2 =	sadd.s32 s2, s16  }
0x8e: {  	[smem:$0x3FBC] =	sst s2  }
0x8f: {  	_ = 	snop  }
0x90: {  	(tm) =	ssettm $0x1  }
0x91: {  	s17 =	sld [smem:$0x3FFB];
	_ =	sdelay $0x3  }
0x92: {  	_ =	strace s17  }
0x93: {  	s2 =	sld [smem:$0x3FFC];
	_ =	sdelay $0x3  }
0x94: {  	_ =	strace s2  }
0x95: {  	s2 =	sld [smem:$0x3FFD];
	_ =	sdelay $0x3  }
0x96: {  	_ =	strace s2  }
0x97: {  	_ =	strace $0x8FFFFFFF  }
0x98: {  	s18 =	sld [smem:$0x3FDB];
	_ =	sdelay $0x1  }
0x99: {  	s19 =	simm.s32 $_scs_section_size  }
0x9a: {  	s4 =	simm.s32 $_size__tile_overlayer_lowered;
	s5 =	simm.s32 $_tile_overlayer_lowered  }
0x9b: {  	s22 =	simm.s32 $0x1BFF;
	s21 =	sshll.u32 s5, $0x1;
	s2 =	sadd.s32 s19, s18  }
0x9c: {  	s6 =	simm.s32 $0x0;
	s20 =	sshll.u32 s4, $0x1;
	s4 =	sadd.s32 s21, s2  }
0x9d: {  	[timem:s6], [sflag:s22] =	dma.local [hbm:s4], s20  }
0x9e: {  	_ =	swait.ge [sflag:s22], s20  }
0x9f: {  	s3 =	ssub.s32 $0x0, s20;
	[sflag:s22] =	ssyncset.done $0x0  }
0xa0: {  	[sflag:s22] =	ssyncadd.s32 s3;
	_ =	sdelay $0x1  }
0xa1: {  	s23 =	simm.s32 $0x1B8B  }
0xa2: {  	_ =	swait.ge [sflag:s23], $0x1  }
0xa3: {  	[sflag:s23] =	ssyncset.done $0x0  }
0xa4: {  	s25 =	simm.s32 $0x1B8E;
	s24 =	sld [smem:$0x3FFE];
	[sflag:s23] =	ssyncadd.s32 $0xFFFFFFFF  }
0xa5: {  	s26 =	simm.s32 $execute0_lowered;
	[smem:$0x3FD2] =	sst s25  }
0xa6: {  	s4 =	sshll.u32 s26, $0x1;
	_ =	strace $0x8000004C;
	[dreg:$0x1] =	wrdreg $0xFFFFFFFF  }
0xa7: {  	s28 =	simm.s32 $_size_execute0_lowered;
	s2 =	sadd.s32 s2, s4;
	[dreg:$0x0] =	wrdreg $0x0  }
0xa8: {  	s4 =	sshll.u32 s28, $0x1;
	[dreg:$0x2] =	wrdreg s2  }
0xa9: {  	[dreg:$0x3] =	wrdreg s4  }
0xaa: {  	[dreg:$0x4] =	wrdreg $0xC0  }
0xab: {  	_ =	task [dreg:s6], $0x5FFFF  }
0xac: {  	[dreg:$0x1] =	wrdreg $0xFFFFFFFF  }
0xad: {  	[dreg:$0x0] =	wrdreg $0x60  }
0xae: {  	[dreg:$0x2] =	wrdreg s24  }
0xaf: {  	[dreg:$0x3] =	wrdreg $0x58200  }
0xb0: {  	[dreg:$0x4] =	wrdreg $0xA6400  }
0xb1: {  	[dreg:$0x5] =	wrdreg $0x9  }
0xb2: {  	_ =	task.clear_ibuf [dreg:s6], $0x6FFFF;
	_ =	strace $0x9000004C  }
0xb3: {  	s29 =	simm.s32 $0x9;
	_ =	strace $0x8000004E  }
0xb4: {  	_ =	swait.ge [sflag:s29], $0x1  }
0xb5: {  	[sflag:s29] =	ssyncadd.s32 $0xFFFFFFFF  }
0xb6: {  	_ =	strace $0x9000004E  }
0xb7: {  	_ =	sfence  }
0xb8: {  	s30 =	sld [smem:$0x0];
	_ =	sdelay $0x2  }
0xb9: {  	s31 =	sshll.u32 s1, $0xD;
	s1 =	sshrl.u32 s1, $0x2  }
0xba: {  	s3 =	sand.u32 $0x4000, s31;
	s1 =	sadd.s32 s1, s30  }
0xbb: {  	s0 =	sor.u32 s3, s0;
	s1 =	sshll.u32 s1, $0x11  }
0xbc: {  	s0 =	sor.u32 s1, s0  }
0xbd: {  	s0 =	sadd.s32 $0x8F2B, s0  }
0xbe: {  	[sflag:s0] =	ssyncadd.remote.s32 $0x1  }
0xbf: {  	_ =	sfence.sel $0xFFFF  }
0xc0: {  	[dreg:$0x0] =	wrdreg $0xFFFFFFFF;
	(pc) =	sbr.abs _section_cstart, $3  }
0xc1: {  	[dreg:$0x1] =	wrdreg $0xFFFFFFFF  }
0xc2: {  	_ =	task.clear_ibuf [dreg:s6], $0x2FFFF;
	_ =	strace $0x9FFFFFFF  }
0xc3: {  	(tm) =	ssettm $0x7FFFFFFF  }
tec
execute0_lowered:
.L_overlay_start_1:
0x0: {  	(tag) =	ssettag $0x1  }
0x1: {  	s6 =	rddreg [dreg:$0x0]  }
0x2: {  	s1 =	srdreg.scid;
	s2 =	rddreg [dreg:$0x1]  }
0x3: {  	s0 =	stileid.u32;
	s3 =	rddreg [dreg:$0x2]  }
0x4: {  	s4 =	simm.s32 $0x0;
	s17 =	simm.s32 $0x1;
	s18 =	simm.s32 $0x2710  }
0x5: {  	s19 =	simm.s32 $0x50;
	s20 =	simm.s32 $0x4E20;
	s21 =	simm.s32 $0x0  }
0x6: {  	s5 =	sand.u32 $0x1, s1;
	s28 =	sshll.u32 s0, $0x1;
	s8 =	smul.u32 $0x5000, s0  }
0x7: {  	[smem:$0x7FF] =	sst s4;
	s13 =	sadd.s32 $0x4B000, s2;
	p0 =	seq.s32 s0, $0xF  }
0x8: {  	s15 =	sshll.u32 s0, $0x6;
	s1 =	sor.u32 s5, s28;
	s9 =	smul.u32 $0x50000, s5  }
0x9: {  	s5 =	ssub.s32 $0x2, s5;
	s15 =	sor.u32 $0x1C01, s15;
	s7 =	smul.u32 $0x4E2, s1  }
0xa: {  	s1 =	rddreg [dreg:$0x3];
	_ =	strace $0x8000004D;
	s30 =	sshrl.u32 s8, $0x3  }
0xb: {  	s31 =	sshrl.u32 s5, $0x1;
	s14 =	sadd.s32 s8, s2;
	s16 =	sadd.s32 s8, s3  }
0xc: {  	s29 =	sadd.s32 s8, s9;
	s9 =	sadd.s32 s30, s6;
	s12 =	ssub.s32 s5, s31  }
0xd: {  	s14 =	sshrl.u32 @!p0 s14, $0x3;
	s10 =	sadd.s32 s7, s6;
	s7 =	sshrl.u32 s29, $0x3  }
0xe: {  	s5 =	sadd.s32 $0x16200, s9;
	s11 =	sadd.s32 s7, s6;
	s7 =	sadd.s32 $0x9C600, s9  }
0xf: {  	s8 =	sadd.s32 $0x2600, s10;
	s9 =	sadd.s32 $0xC400, s10;
	s10 =	sadd.s32 $0x75400, s11  }
0x10: {  	s11 =	smax.u32 s12, $0x1;
	s12 =	sshrl.u32 @p0 s13, $0x3;
	s13 =	sshll.u32 @!p0 s0, $0x6  }
0x11: {  	s16 =	sshrl.u32 s16, $0x3;
	s6 =	sadd.s32 $0x1F800, s6;
	s13 =	sor.u32 @!p0 $0x1C01, s13  }
.LBB2_1:
0x12: {  	s22 =	simm.s32 @p0 $0x1FC1  }
0x13: {  	[spmem:s12], [sflag:s22] =	dma.local @p0 [hbm:s6], $0x640  }
0x14: {  	s22 =	simm.s32 @p0 $0x1  }
0x15: {  	_ =	swait.ge @p0 [sflag:s22], $0x640  }
0x16: {  	[sflag:s22] =	ssyncset.done @p0 $0x0  }
0x17: {  	[sflag:s22] =	ssyncadd.s32 @p0 $0xFFFFF9C0;
	s22 =	simm.s32 @!p0 $0x1  }
0x18: {  	[spmem:s14], [sflag:s13] =	dma.local @!p0 [hbm:s5], $0xA00  }
0x19: {  	_ =	swait.ge @!p0 [sflag:s22], $0xA00  }
0x1a: {  	[sflag:s22] =	ssyncset.done @!p0 $0x0  }
0x1b: {  	[sflag:s22] =	ssyncadd.s32 @!p0 $0xFFFFF600  }
0x1c: {  	[spmem:s16], [sflag:s15] =	dma.local [hbm:s7], $0xA00  }
0x1d: {  	_ =	swait.ge [sflag:s17], $0xA00  }
0x1e: {  	[sflag:s17] =	ssyncset.done $0x0  }
0x1f: {  	[sflag:s17] =	ssyncadd.s32 $0xFFFFF600  }
0x20: {  	[tilespmem:s4], [sflag:$0x1] =	stream.linear.gather [hbm4b:s8+s4], $0x2710, $0x38;
	[tilespmem:$0xF640] =	vst v63  }
0x21: {  	_ =	swait.ge [sflag:s17], $0x2710  }
0x22: {  	[sflag:s17] =	ssyncset.done $0x0  }
0x23: {  	[sflag:s17] =	ssyncadd.s32 $0xFFFFD8F0  }
0x24: {  	[tilespmem:s18], [sflag:$0x1] =	stream.linear.gather [hbm4b:s9+s4], $0x2710, $0x38;
	[tilespmem:$0xF640] =	vst v63  }
0x25: {  	_ =	swait.ge [sflag:s17], $0x2710  }
0x26: {  	[sflag:s17] =	ssyncset.done $0x0  }
0x27: {  	[sflag:s17] =	ssyncadd.s32 $0xFFFFD8F0  }
0x28: {  	s30 =	simm.s32 $0x0;
	[bflag:$0x0] =	sbarrier.arrive $0xFFFF  }
0x29: {  	[tilespmem:s20], [sflag:$0x1] =	stream.indirect.gather [spmem:s2], $0x20, s30, s19, $0xb8;
	[tilespmem:$0xF640] =	vst v63  }
0x2a: {  	_ =	swait.ge [sflag:s17], $0xA00  }
0x2b: {  	[sflag:s17] =	ssyncset.done $0x0  }
0x2c: {  	s31 =	simm.s32 $0x2710;
	[sflag:s17] =	ssyncadd.s32 $0xFFFFF600  }
0x2d: {  	[spmem:s3] =	stream.indirect.scatter.add.f32 [tilespmem:s20], [sflag:$0x1], $0x20, s31, s19, $0xb8;
	[tilespmem:$0xF640] =	vst v63  }
0x2e: {  	_ =	swait.ge [sflag:s17], $0xA00  }
0x2f: {  	s23 =	simm.s32 $0x280;
	s22 =	simm.s32 $0x140;
	[sflag:s17] =	ssyncset.done $0x0  }
.LBB2_2:
0x30: {  	s24 =	sshra.s32 s22, $0x2  }
0x31: {  	[sflag:s17] =	ssyncadd.s32 $0xFFFFF600;
	s22 =	smov.u32 s23;
	s25 =	sadd.s32 $0x140, s23  }
0x32: {  	[tilespmem:s20], [sflag:$0x1] =	stream.indirect.gather [spmem:s2], $0x20, s24, s19, $0xb8;
	[tilespmem:$0xF640] =	vst v63  }
0x33: {  	p1 =	sne.s32 s23, $0x9B00;
	_ =	swait.ge [sflag:s17], $0xA00  }
.Ltmp0:
0x34: {  	[sflag:s17] =	ssyncset.done $0x0;
	(pc) =	sbr.rel @p1 .LBB2_2-.Ltmp0, $4  }
0x35: {  	s23 =	sadd.s32 $0x2710, s24;
	[sflag:s17] =	ssyncadd.s32 $0xFFFFF600  }
0x36: {  	[spmem:s3] =	stream.indirect.scatter.add.f32 [tilespmem:s20], [sflag:$0x1], $0x20, s23, s19, $0xb8;
	[tilespmem:$0xF640] =	vst v63  }
0x37: {  	_ =	swait.ge [sflag:s17], $0xA00  }
0x38: {  	s23 =	smov.u32 s25;
	[sflag:s17] =	ssyncset.done $0x0  }
0x39: {  	s22 =	sshra.s32 s22, $0x2;
	[sflag:s17] =	ssyncadd.s32 $0xFFFFF600  }
0x3a: {  	[tilespmem:s20], [sflag:$0x1] =	stream.indirect.gather [spmem:s2], $0x20, s22, s19, $0xb8;
	[tilespmem:$0xF640] =	vst v63  }
0x3b: {  	_ =	swait.ge [sflag:s17], $0xA00  }
0x3c: {  	[sflag:s17] =	ssyncset.done $0x0  }
0x3d: {  	s22 =	sadd.s32 $0x2710, s22;
	[sflag:s17] =	ssyncadd.s32 $0xFFFFF600  }
0x3e: {  	[spmem:s3] =	stream.indirect.scatter.add.f32 [tilespmem:s20], [sflag:$0x1], $0x20, s22, s19, $0xb8;
	[tilespmem:$0xF640] =	vst v63  }
0x3f: {  	_ =	swait.ge [sflag:s17], $0xA00  }
0x40: {  	s21 =	sadd.s32 $0x1, s21;
	[sflag:s17] =	ssyncset.done $0x0  }
0x41: {  	p1 =	sne.s32 s21, s11;
	[sflag:s17] =	ssyncadd.s32 $0xFFFFF600  }
.Ltmp1:
0x42: {  	[bflag:$0x0] =	sbarrier.arrive $0xFFFF;
	(pc) =	sbr.rel @p1 .LBB2_1-.Ltmp1, $4  }
0x43: {  	[hbm:s10], [sflag:s15] =	dma.local [spmem:s16], $0xA00  }
0x44: {  	_ =	swait.ge [sflag:s17], $0xA00  }
0x45: {  	[sflag:s17] =	ssyncset.done $0x0  }
0x46: {  	[sflag:s17] =	ssyncadd.s32 $0xFFFFF600  }
0x47: {  	_ =	sfence.sel $0x180000  }
0x48: {  	[bflag:$0x0] =	sbarrier.arrive $0xFFFF  }
0x49: {  	p0 =	sne.s32 s0, $0x0;
	_ =	strace $0x9000004D  }
0x4a: {  	s0 =	sadd.s32 @!p0 $0x100000, s1;
	[bflag:$0x2] =	sbarrier.arrive $0xFFFF  }
0x4b: {  	[sflag:s0] =	ssyncadd.tile.s32 @!p0 $0x1;
	_ =	shalt  }
.Lfunc_end2:
_tile_overlayer_lowered:
.L_overlay_start_2:
0x4c: {  	(tag) =	ssettag $0x2  }
0x4d: {  	s0 =	rddreg [dreg:$0x0];
	s2 =	stileid.u32  }
0x4e: {  	s1 =	rddreg [dreg:$0x1];
	p0 =	sne.s32 s2, $0x0  }
0x4f: {  	s3 =	rddreg [dreg:$0x2];
	[bflag:$0x3] =	sbarrier.arrive $0xFFFF;
	s2 =	simm.s32 @!p0 $0x1C01  }
0x50: {  	[timem:s3], [sflag:s2] =	dma.local @!p0 [hbm:s0], s1  }
0x51: {  	s0 =	simm.s32 @!p0 $0x1  }
0x52: {  	_ =	swait.ge @!p0 [sflag:s0], s1  }
0x53: {  	s1 =	ssub.s32 @!p0 $0x0, s1;
	[sflag:s0] =	ssyncset.done @!p0 $0x0  }
0x54: {  	[sflag:s0] =	ssyncadd.s32 @!p0 s1  }
0x55: {  	[bflag:$0x3] =	sbarrier.arrive $0xFFFF  }
0x56: {  	_ =	shalt  }

// kernel: kernel.19.cloned.1.call-start
scs
__scs_entry_jumppad:
0x0: {  	(pc) =	sbr.rel $0x88, $3  }
0x1: {  	(tag) =	ssettag $0x0;
	lr =	simm.s32 $0x1  }
0x2: {  	[smem:$0x3F95] =	sst lr;
	_ =	strace $0xD0000000  }
0x3: {  	_ = 	snop  }
0x4: {  	_ = 	snop  }
0x5: {  	_ = 	snop  }
0x6: {  	_ = 	snop  }
0x7: {  	_ = 	snop  }
__scs_overlays_trampoline_lowered:
0x8: {  	[smem:$0x3FA4] =	sst s0  }
0x9: {  	[smem:$0x3FA5] =	sst s1  }
0xa: {  	[smem:$0x3FA6] =	sst s2  }
0xb: {  	[smem:$0x3FA7] =	sst s3  }
0xc: {  	[smem:$0x3FA8] =	sst s4  }
0xd: {  	[smem:$0x3FA9] =	sst s5  }
0xe: {  	[smem:$0x3FAA] =	sst s6  }
0xf: {  	[smem:$0x3FAB] =	sst s7  }
0x10: {  	[smem:$0x3FAC] =	sst s8  }
0x11: {  	[smem:$0x3FAD] =	sst s9;
	s0 =	simm.s32 @!p0 $0x0  }
0x12: {  	s1 =	sld [smem:$0x3F93];
	s0 =	simm.s32 @p0 $0x1  }
0x13: {  	[smem:$0x3FAE] =	sst s0;
	s0 =	simm.s32 @!p1 $0x0  }
0x14: {  	s2 =	sld [smem:$0x3F92];
	s0 =	simm.s32 @p1 $0x1  }
0x15: {  	[smem:$0x3FAF] =	sst s0;
	s0 =	simm.s32 @!p2 $0x0  }
0x16: {  	s3 =	sld [smem:$0x3FDB];
	s0 =	simm.s32 @p2 $0x1  }
0x17: {  	s4 =	simm.s32 $0x1BF5;
	[smem:$0x3FB1] =	sst s0  }
0x18: {  	s0 =	sld [smem:$0x3F94];
	_ =	swait.ge [sflag:s4], $0x0  }
0x19: {  	s7 =	sld [smem:$0x3F95]  }
0x1a: {  	s8 =	sadd.s32 $0xFFFFE003, lr  }
0x1b: {  	s9 =	sadd.s32 $0xFFFFFEF7, lr;
	s5 =	simm.s32 $0xFFFFFFFF;
	p2 =	slt.u32 s8, $0xFFFFF086  }
0x1c: {  	p1 =	slt.u32 s9, $0xF7A;
	s5 =	simm.s32 @!p2 $0x0  }
0x1d: {  	s5 =	simm.s32 @p1 $0x1;
	p0 =	seq.s32 s7, s2  }
0x1e: {  	s7 =	smul.u32 @!p0 $0xF7A, s2;
	p2 =	seq.s32 @!p0 s5, $0x0  }
0x1f: {  	s9 =	smul.u32 $0xF7A, s1;
	s8 =	simm.s32 @!p0 $0x1BF5;
	p2 =	por !p2, p0  }
0x20: {  	[sflag:s8] =	ssyncset.s32 @!p0 $0xFFFFF086;
	s6 =	sadd.s32 @!p0 s3, s7;
	s7 =	simm.s32 @!p0 $0x108  }
0x21: {  	s3 =	sadd.s32 s3, s9;
	s6 =	sadd.s32 @!p0 $0x88, s6;
	s7 =	simm.s32 @p2 $0x1082  }
0x22: {  	[simem:s7], [sflag:s8] =	dma.local @!p0 [hbm:s6], $0xF7A  }
0x23: {  	s9 =	sor.u32 $0xD0000000, s2;
	s6 =	simm.s32 $0x108;
	_ =	swait.ge @!p0 [sflag:s8], $0x0  }
0x24: {  	s3 =	sadd.s32 $0x88, s3;
	s6 =	simm.s32 @!p1 $0x1082;
	[sflag:s4] =	ssyncset.s32 $0xFFFFF086  }
0x25: {  	[simem:s6], [sflag:s4] =	dma.local [hbm:s3], $0xF7A  }
0x26: {  	[smem:$0x3F95] =	sst s1;
	(tag) =	ssettag s2;
	_ =	strace s9  }
0x27: {  	s1 =	sld [smem:$0x3FA5]  }
0x28: {  	s2 =	sld [smem:$0x3FA6]  }
0x29: {  	s4 =	sld [smem:$0x3FA8]  }
0x2a: {  	p0 =	seq.s32 s5, $0x0;
	s5 =	sld [smem:$0x3FA9]  }
0x2b: {  	s6 =	sld [smem:$0x3FAA]  }
0x2c: {  	s7 =	sld [smem:$0x3FAB]  }
0x2d: {  	s3 =	simm.s32 $0x108;
	s8 =	sld [smem:$0x3FAC]  }
0x2e: {  	s3 =	simm.s32 @!p0 $0x1082;
	s9 =	sld [smem:$0x3FAD]  }
0x2f: {  	lr =	sadd.s32 s0, s3;
	s0 =	sld [smem:$0x3FA4]  }
0x30: {  	s3 =	sld [smem:$0x3FA7]  }
0x31: {  	[smem:$0x3FB0] =	sst s10  }
0x32: {  	s10 =	sld [smem:$0x3FAE];
	_ =	sdelay $0x3  }
0x33: {  	p0 =	seq.s32 s10, $0x1;
	s10 =	sld [smem:$0x3FB0];
	_ =	sdelay $0x3  }
0x34: {  	[smem:$0x3FB0] =	sst s10  }
0x35: {  	s10 =	sld [smem:$0x3FAF];
	_ =	sdelay $0x3  }
0x36: {  	p1 =	seq.s32 s10, $0x1;
	s10 =	sld [smem:$0x3FB0];
	_ =	sdelay $0x3  }
0x37: {  	[smem:$0x3FB0] =	sst s10  }
0x38: {  	s10 =	sld [smem:$0x3FB1]  }
0x39: {  	_ = 	snop;
	(pc) =	sbr.ind lr, $3  }
0x3a: {  	_ = 	snop  }
0x3b: {  	_ = 	snop  }
0x3c: {  	p2 =	seq.s32 s10, $0x1;
	s10 =	sld [smem:$0x3FB0]  }
0x3d: {  	_ =	shalt  }
0x3e: {  	_ =	shalt  }
0x3f: {  	_ =	shalt  }
0x40: {  	_ =	shalt  }
0x41: {  	_ =	shalt  }
0x42: {  	_ =	shalt  }
0x43: {  	_ =	shalt  }
0x44: {  	_ =	shalt  }
0x45: {  	_ =	shalt  }
0x46: {  	_ =	shalt  }
0x47: {  	_ =	shalt  }
0x48: {  	_ =	shalt  }
0x49: {  	_ =	shalt  }
0x4a: {  	_ =	shalt  }
0x4b: {  	_ =	shalt  }
0x4c: {  	_ =	shalt  }
0x4d: {  	_ =	shalt  }
0x4e: {  	_ =	shalt  }
0x4f: {  	_ =	shalt  }
0x50: {  	_ =	shalt  }
0x51: {  	_ =	shalt  }
0x52: {  	_ =	shalt  }
0x53: {  	_ =	shalt  }
0x54: {  	_ =	shalt  }
0x55: {  	_ =	shalt  }
0x56: {  	_ =	shalt  }
0x57: {  	_ =	shalt  }
0x58: {  	_ =	shalt  }
0x59: {  	_ =	shalt  }
0x5a: {  	_ =	shalt  }
0x5b: {  	_ =	shalt  }
0x5c: {  	_ =	shalt  }
0x5d: {  	_ =	shalt  }
0x5e: {  	_ =	shalt  }
0x5f: {  	_ =	shalt  }
0x60: {  	_ =	shalt  }
0x61: {  	_ =	shalt  }
0x62: {  	_ =	shalt  }
0x63: {  	_ =	shalt  }
0x64: {  	_ =	shalt  }
0x65: {  	_ =	shalt  }
0x66: {  	_ =	shalt  }
0x67: {  	_ =	shalt  }
0x68: {  	_ =	shalt  }
0x69: {  	_ =	shalt  }
0x6a: {  	_ =	shalt  }
0x6b: {  	_ =	shalt  }
0x6c: {  	_ =	shalt  }
0x6d: {  	_ =	shalt  }
0x6e: {  	_ =	shalt  }
0x6f: {  	_ =	shalt  }
0x70: {  	_ =	shalt  }
0x71: {  	_ =	shalt  }
0x72: {  	_ =	shalt  }
0x73: {  	_ =	shalt  }
0x74: {  	_ =	shalt  }
0x75: {  	_ =	shalt  }
0x76: {  	_ =	shalt  }
0x77: {  	_ =	shalt  }
0x78: {  	_ =	shalt  }
0x79: {  	_ =	shalt  }
0x7a: {  	_ =	shalt  }
0x7b: {  	_ =	shalt  }
0x7c: {  	_ =	shalt  }
0x7d: {  	_ =	shalt  }
0x7e: {  	_ =	shalt  }
0x7f: {  	_ =	shalt  }
0x80: {  	_ =	shalt  }
0x81: {  	_ =	shalt  }
0x82: {  	_ =	shalt  }
0x83: {  	_ =	shalt  }
0x84: {  	_ =	shalt  }
0x85: {  	_ =	shalt  }
0x86: {  	_ =	shalt  }
0x87: {  	_ =	shalt  }
.Lfunc_end0:
.L_simem_size_0:
called_computation.3_lowered:
.L_overlay_start_0:
0x88: {  	s2 =	sld [smem:$0x3FD9]  }
0x89: {  	s3 =	sld [smem:$0x3FFE];
	_ =	sdelay $0x1  }
0x8a: {  	s1 =	srdreg.scid  }
0x8b: {  	s0 =	sand.u32 $0x1, s1  }
0x8c: {  	s16 =	sshll.u32 s0, $0xA;
	s2 =	sadd.s32 s3, s2  }
0x8d: {  	s2 =	sadd.s32 s2, s16  }
0x8e: {  	[smem:$0x3FBC] =	sst s2  }
0x8f: {  	_ = 	snop  }
0x90: {  	(tm) =	ssettm $0x1  }
0x91: {  	s17 =	sld [smem:$0x3FFB];
	_ =	sdelay $0x3  }
0x92: {  	_ =	strace s17  }
0x93: {  	s2 =	sld [smem:$0x3FFC];
	_ =	sdelay $0x3  }
0x94: {  	_ =	strace s2  }
0x95: {  	s2 =	sld [smem:$0x3FFD];
	_ =	sdelay $0x3  }
0x96: {  	_ =	strace s2  }
0x97: {  	_ =	strace $0x8FFFFFFF  }
0x98: {  	s18 =	sld [smem:$0x3FDB];
	_ =	sdelay $0x1  }
0x99: {  	s19 =	simm.s32 $_scs_section_size  }
0x9a: {  	s4 =	simm.s32 $_size__tile_overlayer_lowered;
	s5 =	simm.s32 $_tile_overlayer_lowered  }
0x9b: {  	s22 =	simm.s32 $0x1BFF;
	s21 =	sshll.u32 s5, $0x1;
	s2 =	sadd.s32 s19, s18  }
0x9c: {  	s6 =	simm.s32 $0x0;
	s20 =	sshll.u32 s4, $0x1;
	s4 =	sadd.s32 s21, s2  }
0x9d: {  	[timem:s6], [sflag:s22] =	dma.local [hbm:s4], s20  }
0x9e: {  	_ =	swait.ge [sflag:s22], s20  }
0x9f: {  	s3 =	ssub.s32 $0x0, s20;
	[sflag:s22] =	ssyncset.done $0x0  }
0xa0: {  	[sflag:s22] =	ssyncadd.s32 s3;
	_ =	sdelay $0x1  }
0xa1: {  	s23 =	simm.s32 $0x1B8B  }
0xa2: {  	_ =	swait.ge [sflag:s23], $0x1  }
0xa3: {  	[sflag:s23] =	ssyncset.done $0x0  }
0xa4: {  	s25 =	simm.s32 $0x1B8E;
	s24 =	sld [smem:$0x3FFE];
	[sflag:s23] =	ssyncadd.s32 $0xFFFFFFFF  }
0xa5: {  	s26 =	simm.s32 $execute0_lowered;
	[smem:$0x3FD2] =	sst s25  }
0xa6: {  	s4 =	sshll.u32 s26, $0x1;
	_ =	strace $0x8000004F;
	[dreg:$0x1] =	wrdreg $0xFFFFFFFF  }
0xa7: {  	s28 =	simm.s32 $_size_execute0_lowered;
	s2 =	sadd.s32 s2, s4;
	[dreg:$0x0] =	wrdreg $0x0  }
0xa8: {  	s4 =	sshll.u32 s28, $0x1;
	[dreg:$0x2] =	wrdreg s2  }
0xa9: {  	[dreg:$0x3] =	wrdreg s4  }
0xaa: {  	[dreg:$0x4] =	wrdreg $0xC0  }
0xab: {  	_ =	task [dreg:s6], $0x5FFFF  }
0xac: {  	[dreg:$0x1] =	wrdreg $0xFFFFFFFF  }
0xad: {  	[dreg:$0x0] =	wrdreg $0x60  }
0xae: {  	[dreg:$0x2] =	wrdreg s24  }
0xaf: {  	[dreg:$0x3] =	wrdreg $0x58200  }
0xb0: {  	[dreg:$0x4] =	wrdreg $0xA6400  }
0xb1: {  	[dreg:$0x5] =	wrdreg $0x9  }
0xb2: {  	_ =	task.clear_ibuf [dreg:s6], $0x6FFFF;
	_ =	strace $0x9000004F  }
0xb3: {  	s29 =	simm.s32 $0x9;
	_ =	strace $0x80000051  }
0xb4: {  	_ =	swait.ge [sflag:s29], $0x1  }
0xb5: {  	[sflag:s29] =	ssyncadd.s32 $0xFFFFFFFF  }
0xb6: {  	_ =	strace $0x90000051  }
0xb7: {  	_ =	sfence  }
0xb8: {  	s30 =	sld [smem:$0x0];
	_ =	sdelay $0x2  }
0xb9: {  	s31 =	sshll.u32 s1, $0xD;
	s1 =	sshrl.u32 s1, $0x2  }
0xba: {  	s3 =	sand.u32 $0x4000, s31;
	s1 =	sadd.s32 s1, s30  }
0xbb: {  	s0 =	sor.u32 s3, s0;
	s1 =	sshll.u32 s1, $0x11  }
0xbc: {  	s0 =	sor.u32 s1, s0  }
0xbd: {  	s0 =	sadd.s32 $0x8F2B, s0  }
0xbe: {  	[sflag:s0] =	ssyncadd.remote.s32 $0x1  }
0xbf: {  	_ =	sfence.sel $0xFFFF  }
0xc0: {  	[dreg:$0x0] =	wrdreg $0xFFFFFFFF;
	(pc) =	sbr.abs _section_cstart, $3  }
0xc1: {  	[dreg:$0x1] =	wrdreg $0xFFFFFFFF  }
0xc2: {  	_ =	task.clear_ibuf [dreg:s6], $0x2FFFF;
	_ =	strace $0x9FFFFFFF  }
0xc3: {  	(tm) =	ssettm $0x7FFFFFFF  }
tec
execute0_lowered:
.L_overlay_start_1:
0x0: {  	(tag) =	ssettag $0x1  }
0x1: {  	s6 =	rddreg [dreg:$0x0]  }
0x2: {  	s1 =	srdreg.scid;
	s2 =	rddreg [dreg:$0x1]  }
0x3: {  	s0 =	stileid.u32;
	s3 =	rddreg [dreg:$0x2]  }
0x4: {  	s4 =	simm.s32 $0x0;
	s17 =	simm.s32 $0x1;
	s18 =	simm.s32 $0x2710  }
0x5: {  	s19 =	simm.s32 $0x50;
	s20 =	simm.s32 $0x4E20;
	s21 =	simm.s32 $0x0  }
0x6: {  	s5 =	sand.u32 $0x1, s1;
	s28 =	sshll.u32 s0, $0x1;
	s8 =	smul.u32 $0x5000, s0  }
0x7: {  	[smem:$0x7FF] =	sst s4;
	s13 =	sadd.s32 $0x4B000, s2;
	p0 =	seq.s32 s0, $0xF  }
0x8: {  	s15 =	sshll.u32 s0, $0x6;
	s1 =	sor.u32 s5, s28;
	s9 =	smul.u32 $0x50000, s5  }
0x9: {  	s5 =	ssub.s32 $0x2, s5;
	s15 =	sor.u32 $0x1C01, s15;
	s7 =	smul.u32 $0x4E2, s1  }
0xa: {  	s1 =	rddreg [dreg:$0x3];
	_ =	strace $0x80000050;
	s30 =	sshrl.u32 s8, $0x3  }
0xb: {  	s31 =	sshrl.u32 s5, $0x1;
	s14 =	sadd.s32 s8, s2;
	s16 =	sadd.s32 s8, s3  }
0xc: {  	s29 =	sadd.s32 s8, s9;
	s9 =	sadd.s32 s30, s6;
	s12 =	ssub.s32 s5, s31  }
0xd: {  	s14 =	sshrl.u32 @!p0 s14, $0x3;
	s10 =	sadd.s32 s7, s6;
	s7 =	sshrl.u32 s29, $0x3  }
0xe: {  	s5 =	sadd.s32 $0x16200, s9;
	s11 =	sadd.s32 s7, s6;
	s7 =	sadd.s32 $0x9C600, s9  }
0xf: {  	s8 =	sadd.s32 $0x2600, s10;
	s9 =	sadd.s32 $0xC400, s10;
	s10 =	sadd.s32 $0x75400, s11  }
0x10: {  	s11 =	smax.u32 s12, $0x1;
	s12 =	sshrl.u32 @p0 s13, $0x3;
	s13 =	sshll.u32 @!p0 s0, $0x6  }
0x11: {  	s16 =	sshrl.u32 s16, $0x3;
	s6 =	sadd.s32 $0x1F800, s6;
	s13 =	sor.u32 @!p0 $0x1C01, s13  }
.LBB2_1:
0x12: {  	s22 =	simm.s32 @p0 $0x1FC1  }
0x13: {  	[spmem:s12], [sflag:s22] =	dma.local @p0 [hbm:s6], $0x640  }
0x14: {  	s22 =	simm.s32 @p0 $0x1  }
0x15: {  	_ =	swait.ge @p0 [sflag:s22], $0x640  }
0x16: {  	[sflag:s22] =	ssyncset.done @p0 $0x0  }
0x17: {  	[sflag:s22] =	ssyncadd.s32 @p0 $0xFFFFF9C0;
	s22 =	simm.s32 @!p0 $0x1  }
0x18: {  	[spmem:s14], [sflag:s13] =	dma.local @!p0 [hbm:s5], $0xA00  }
0x19: {  	_ =	swait.ge @!p0 [sflag:s22], $0xA00  }
0x1a: {  	[sflag:s22] =	ssyncset.done @!p0 $0x0  }
0x1b: {  	[sflag:s22] =	ssyncadd.s32 @!p0 $0xFFFFF600  }
0x1c: {  	[spmem:s16], [sflag:s15] =	dma.local [hbm:s7], $0xA00  }
0x1d: {  	_ =	swait.ge [sflag:s17], $0xA00  }
0x1e: {  	[sflag:s17] =	ssyncset.done $0x0  }
0x1f: {  	[sflag:s17] =	ssyncadd.s32 $0xFFFFF600  }
0x20: {  	[tilespmem:s4], [sflag:$0x1] =	stream.linear.gather [hbm4b:s8+s4], $0x2710, $0x38;
	[tilespmem:$0xF640] =	vst v63  }
0x21: {  	_ =	swait.ge [sflag:s17], $0x2710  }
0x22: {  	[sflag:s17] =	ssyncset.done $0x0  }
0x23: {  	[sflag:s17] =	ssyncadd.s32 $0xFFFFD8F0  }
0x24: {  	[tilespmem:s18], [sflag:$0x1] =	stream.linear.gather [hbm4b:s9+s4], $0x2710, $0x38;
	[tilespmem:$0xF640] =	vst v63  }
0x25: {  	_ =	swait.ge [sflag:s17], $0x2710  }
0x26: {  	[sflag:s17] =	ssyncset.done $0x0  }
0x27: {  	[sflag:s17] =	ssyncadd.s32 $0xFFFFD8F0  }
0x28: {  	s30 =	simm.s32 $0x0;
	[bflag:$0x0] =	sbarrier.arrive $0xFFFF  }
0x29: {  	[tilespmem:s20], [sflag:$0x1] =	stream.indirect.gather [spmem:s2], $0x20, s30, s19, $0xb8;
	[tilespmem:$0xF640] =	vst v63  }
0x2a: {  	_ =	swait.ge [sflag:s17], $0xA00  }
0x2b: {  	[sflag:s17] =	ssyncset.done $0x0  }
0x2c: {  	s31 =	simm.s32 $0x2710;
	[sflag:s17] =	ssyncadd.s32 $0xFFFFF600  }
0x2d: {  	[spmem:s3] =	stream.indirect.scatter.add.f32 [tilespmem:s20], [sflag:$0x1], $0x20, s31, s19, $0xb8;
	[tilespmem:$0xF640] =	vst v63  }
0x2e: {  	_ =	swait.ge [sflag:s17], $0xA00  }
0x2f: {  	s23 =	simm.s32 $0x280;
	s22 =	simm.s32 $0x140;
	[sflag:s17] =	ssyncset.done $0x0  }
.LBB2_2:
0x30: {  	s24 =	sshra.s32 s22, $0x2  }
0x31: {  	[sflag:s17] =	ssyncadd.s32 $0xFFFFF600;
	s22 =	smov.u32 s23;
	s25 =	sadd.s32 $0x140, s23  }
0x32: {  	[tilespmem:s20], [sflag:$0x1] =	stream.indirect.gather [spmem:s2], $0x20, s24, s19, $0xb8;
	[tilespmem:$0xF640] =	vst v63  }
0x33: {  	p1 =	sne.s32 s23, $0x9B00;
	_ =	swait.ge [sflag:s17], $0xA00  }
.Ltmp0:
0x34: {  	[sflag:s17] =	ssyncset.done $0x0;
	(pc) =	sbr.rel @p1 .LBB2_2-.Ltmp0, $4  }
0x35: {  	s23 =	sadd.s32 $0x2710, s24;
	[sflag:s17] =	ssyncadd.s32 $0xFFFFF600  }
0x36: {  	[spmem:s3] =	stream.indirect.scatter.add.f32 [tilespmem:s20], [sflag:$0x1], $0x20, s23, s19, $0xb8;
	[tilespmem:$0xF640] =	vst v63  }
0x37: {  	_ =	swait.ge [sflag:s17], $0xA00  }
0x38: {  	s23 =	smov.u32 s25;
	[sflag:s17] =	ssyncset.done $0x0  }
0x39: {  	s22 =	sshra.s32 s22, $0x2;
	[sflag:s17] =	ssyncadd.s32 $0xFFFFF600  }
0x3a: {  	[tilespmem:s20], [sflag:$0x1] =	stream.indirect.gather [spmem:s2], $0x20, s22, s19, $0xb8;
	[tilespmem:$0xF640] =	vst v63  }
0x3b: {  	_ =	swait.ge [sflag:s17], $0xA00  }
0x3c: {  	[sflag:s17] =	ssyncset.done $0x0  }
0x3d: {  	s22 =	sadd.s32 $0x2710, s22;
	[sflag:s17] =	ssyncadd.s32 $0xFFFFF600  }
0x3e: {  	[spmem:s3] =	stream.indirect.scatter.add.f32 [tilespmem:s20], [sflag:$0x1], $0x20, s22, s19, $0xb8;
	[tilespmem:$0xF640] =	vst v63  }
0x3f: {  	_ =	swait.ge [sflag:s17], $0xA00  }
0x40: {  	s21 =	sadd.s32 $0x1, s21;
	[sflag:s17] =	ssyncset.done $0x0  }
0x41: {  	p1 =	sne.s32 s21, s11;
	[sflag:s17] =	ssyncadd.s32 $0xFFFFF600  }
.Ltmp1:
0x42: {  	[bflag:$0x0] =	sbarrier.arrive $0xFFFF;
	(pc) =	sbr.rel @p1 .LBB2_1-.Ltmp1, $4  }
0x43: {  	[hbm:s10], [sflag:s15] =	dma.local [spmem:s16], $0xA00  }
0x44: {  	_ =	swait.ge [sflag:s17], $0xA00  }
0x45: {  	[sflag:s17] =	ssyncset.done $0x0  }
0x46: {  	[sflag:s17] =	ssyncadd.s32 $0xFFFFF600  }
0x47: {  	_ =	sfence.sel $0x180000  }
0x48: {  	[bflag:$0x0] =	sbarrier.arrive $0xFFFF  }
0x49: {  	p0 =	sne.s32 s0, $0x0;
	_ =	strace $0x90000050  }
0x4a: {  	s0 =	sadd.s32 @!p0 $0x100000, s1;
	[bflag:$0x2] =	sbarrier.arrive $0xFFFF  }
0x4b: {  	[sflag:s0] =	ssyncadd.tile.s32 @!p0 $0x1;
	_ =	shalt  }
.Lfunc_end2:
_tile_overlayer_lowered:
.L_overlay_start_2:
0x4c: {  	(tag) =	ssettag $0x2  }
0x4d: {  	s0 =	rddreg [dreg:$0x0];
	s2 =	stileid.u32  }
0x4e: {  	s1 =	rddreg [dreg:$0x1];
	p0 =	sne.s32 s2, $0x0  }
0x4f: {  	s3 =	rddreg [dreg:$0x2];
	[bflag:$0x3] =	sbarrier.arrive $0xFFFF;
	s2 =	simm.s32 @!p0 $0x1C01  }
0x50: {  	[timem:s3], [sflag:s2] =	dma.local @!p0 [hbm:s0], s1  }
0x51: {  	s0 =	simm.s32 @!p0 $0x1  }
0x52: {  	_ =	swait.ge @!p0 [sflag:s0], s1  }
0x53: {  	s1 =	ssub.s32 @!p0 $0x0, s1;
	[sflag:s0] =	ssyncset.done @!p0 $0x0  }
0x54: {  	[sflag:s0] =	ssyncadd.s32 @!p0 s1  }
0x55: {  	[bflag:$0x3] =	sbarrier.arrive $0xFFFF  }
0x56: {  	_ =	shalt  }

</sc_bundles>
